<compile_context>
chip_gen: v7x
topology: tpu7x:2x2x1
jax: 0.10.2.dev20260603
libtpu: 0.0.44.dev20260713+nightly
codegen_flags: <defaults>
</compile_context>

<pallas_src>
import functools

import jax
import jax.numpy as jnp
from jax import lax
from jax.experimental import pallas as pl
from jax.experimental.pallas import tpu as pltpu
from jax.experimental.pallas import tpu_sc as plsc

_NBUF = 4
_TNBUF = 2
_TCHUNK = 125


def _gather_kernel(n_batch, seq, hidden2, vocab, num_cores, num_subcores):
    hidden = hidden2 // 2
    num_workers = num_cores * num_subcores
    rows_per_w = n_batch // num_workers
    chunk = seq
    per_w = rows_per_w * chunk
    n_iters = rows_per_w // _NBUF
    trows_per_w = vocab // num_subcores
    t_iters = trows_per_w // _TCHUNK // _TNBUF

    mesh = plsc.VectorSubcoreMesh(core_axis_name="c", subcore_axis_name="s")

    @functools.partial(
        pl.kernel,
        mesh=mesh,
        compiler_params=pltpu.CompilerParams(
            use_tc_tiling_on_sc=False, needs_layout_passes=False),
        out_type=jax.ShapeDtypeStruct((n_batch, seq, hidden2), jnp.bfloat16),
        scratch_types=[
            pltpu.HBM((num_cores, vocab, hidden), jnp.int32),
            pltpu.VMEM((rows_per_w, chunk), jnp.int32),
            pltpu.VMEM((_NBUF, chunk, hidden), jnp.int32),
            pltpu.VMEM((_NBUF, chunk, hidden2), jnp.bfloat16),
            [pltpu.SemaphoreType.DMA] * _NBUF,
            [pltpu.SemaphoreType.DMA] * _NBUF,
            [pltpu.SemaphoreType.DMA] * _NBUF,
        ],
    )
    def body(idx_hbm, table_hbm, out_bf16, tab32, idx_v, bufi, bufo,
             gsems, ssems, isems):
        ci = lax.axis_index("c")
        sid = lax.axis_index("s")
        wid = sid * num_cores + ci
        row0 = wid * rows_per_w

        tbase = sid * trows_per_w
        my_tab = tab32.at[ci]

        def t_load(step, b):
            pltpu.async_copy(
                table_hbm.at[pl.ds(tbase + step * _TCHUNK, _TCHUNK)],
                bufo.at[b, pl.ds(0, _TCHUNK)], isems[b])

        def t_wait_load(b):
            pltpu.make_async_copy(
                table_hbm.at[pl.ds(0, _TCHUNK)],
                bufo.at[b, pl.ds(0, _TCHUNK)], isems[b]).wait()

        def t_wait_store(b):
            pltpu.make_async_copy(
                bufi.at[b, pl.ds(0, _TCHUNK)],
                my_tab.at[pl.ds(0, _TCHUNK)], ssems[b]).wait()

        def t_convert(b):
            src = bufo.at[b]
            dst = bufi.at[b]

            def rr(q, c):
                for k in range(hidden2 // 32):
                    v = src[q, pl.ds(32 * k, 32)]
                    dst[q, pl.ds(16 * k, 16)] = plsc.bitcast(v, jnp.int32)
                return c

            lax.fori_loop(0, _TCHUNK, rr, 0)

        for b in range(_TNBUF):
            t_load(b, b)

        def t_outer(i, carry):
            for b in range(_TNBUF):
                step = i * _TNBUF + b
                t_wait_load(b)

                @pl.when(i > 0)
                def _():
                    t_wait_store(b)

                t_convert(b)

                @pl.when(i < t_iters - 1)
                def _():
                    t_load((i + 1) * _TNBUF + b, b)

                pltpu.make_async_copy(
                    bufi.at[b, pl.ds(0, _TCHUNK)],
                    my_tab.at[pl.ds(tbase + step * _TCHUNK, _TCHUNK)],
                    ssems[b]).start()

            return carry

        lax.fori_loop(0, t_iters, t_outer, 0)
        for b in range(_TNBUF):
            t_wait_store(b)
        pltpu.sync_copy(idx_hbm.at[pl.ds(row0, rows_per_w)], idx_v)
        plsc.subcore_barrier()

        def start_gather(j, b):
            pltpu.async_copy(
                my_tab.at[idx_v.at[j]], bufi.at[b, pl.ds(0, chunk)],
                gsems[b])

        def wait_gather(b):
            pltpu.make_async_copy(
                my_tab.at[idx_v.at[0]], bufi.at[b, pl.ds(0, chunk)],
                gsems[b]).wait()

        def wait_store(b):
            pltpu.make_async_copy(
                bufo.at[b, pl.ds(0, chunk)], out_bf16.at[row0],
                ssems[b]).wait()

        def convert(b):
            src = bufi.at[b]
            dst = bufo.at[b]

            def rr(q, c):
                for k in range(hidden // 16):
                    v = src[q, pl.ds(16 * k, 16)]
                    dst[q, pl.ds(32 * k, 32)] = plsc.bitcast(
                        v, jnp.bfloat16)
                return c

            lax.fori_loop(0, chunk, rr, 0)

        for b in range(_NBUF):
            start_gather(b, b)

        def outer(i, carry):
            for b in range(_NBUF):
                j = i * _NBUF + b
                wait_gather(b)

                @pl.when(i > 0)
                def _():
                    wait_store(b)

                convert(b)

                @pl.when(i < n_iters - 1)
                def _():
                    start_gather((i + 1) * _NBUF + b, b)

                pltpu.make_async_copy(
                    bufo.at[b, pl.ds(0, chunk)], out_bf16.at[row0 + j],
                    ssems[b]).start()

            return carry

        lax.fori_loop(0, n_iters, outer, 0)
        for b in range(_NBUF):
            wait_store(b)

    return body


def kernel(x, table):
    b, l = x.shape
    vocab, hidden = table.shape
    info = plsc.get_sparse_core_info()
    fn = _gather_kernel(b, l, hidden, vocab,
                        info.num_cores, info.num_subcores)
    return fn(x.astype(jnp.int32), table)

# --- scband reference (transcript-rebuilt; emitter-appended) ---
"""Pipeline reference for scband-model-2619930051505 (READ-ONLY COPY).

The authoritative reference and input builder live on the scoring server;
editing this copy changes nothing except your own understanding.
"""

import jax, jax.numpy as jnp
import numpy as np

VOCAB = 100000
HIDDEN = 128
B = 4096
L = 200

def setup_inputs(seed: int = 0) -> dict:
    key = jax.random.key(seed)
    k_idx, k_tab = jax.random.split(key)
    x = jax.random.randint(k_idx, (B, L), 0, VOCAB, dtype=jnp.int64)
    table = (jax.random.normal(k_tab, (VOCAB, HIDDEN), dtype=jnp.float32)).astype(jnp.bfloat16)
    return {"x": x, "table": table}

def reference(x, table):
    # nn.Embedding forward: gather rows of the embedding table
    return jnp.take(table, x, axis=0)

if __name__ == "__main__":
    import jax
    _d = setup_inputs()
    print(jax.jit(kernel)(*tuple(_d.values())))

</pallas_src>

<mosaic_0001>
#map = affine_map<(d0, d1) -> (0, 0)>
#map1 = affine_map<(d0, d1) -> (0, 0, 0)>
module attributes {stable_mosaic.version = 14 : i64} {
  func.func @body(%arg0: i32, %arg1: i32, %arg2: memref<4096x200xi32, #tpu.memory_space<hbm>>, %arg3: memref<100000x128xbf16, #tpu.memory_space<hbm>>, %arg4: memref<4096x200x128xbf16, #tpu.memory_space<hbm>>, %arg5: memref<2x100000x64xi32, #tpu.memory_space<hbm>>, %arg6: memref<128x200xi32, #tpu.memory_space<vmem>>, %arg7: memref<4x200x64xi32, #tpu.memory_space<vmem>>, %arg8: memref<4x200x128xbf16, #tpu.memory_space<vmem>>, %arg9: memref<!tpu.dma_semaphore, #tpu.memory_space<semaphore_mem>>, %arg10: memref<!tpu.dma_semaphore, #tpu.memory_space<semaphore_mem>>, %arg11: memref<!tpu.dma_semaphore, #tpu.memory_space<semaphore_mem>>, %arg12: memref<!tpu.dma_semaphore, #tpu.memory_space<semaphore_mem>>, %arg13: memref<!tpu.dma_semaphore, #tpu.memory_space<semaphore_mem>>, %arg14: memref<!tpu.dma_semaphore, #tpu.memory_space<semaphore_mem>>, %arg15: memref<!tpu.dma_semaphore, #tpu.memory_space<semaphore_mem>>, %arg16: memref<!tpu.dma_semaphore, #tpu.memory_space<semaphore_mem>>, %arg17: memref<!tpu.dma_semaphore, #tpu.memory_space<semaphore_mem>>, %arg18: memref<!tpu.dma_semaphore, #tpu.memory_space<semaphore_mem>>, %arg19: memref<!tpu.dma_semaphore, #tpu.memory_space<semaphore_mem>>, %arg20: memref<!tpu.dma_semaphore, #tpu.memory_space<semaphore_mem>>) attributes {dimension_semantics = [#tpu.dimension_semantics<core_parallel>, #tpu.dimension_semantics<subcore_parallel>], iteration_bounds = array<i64: 2, 16>, scalar_prefetch = 0 : i64, scratch_operands = 16 : i64, tpu.core_type = #tpu.core_type<sc_vector_subcore>, window_params = [{transform_indices = #map}, {transform_indices = #map}, {transform_indices = #map1}]} {
    %mul3A = arith.constant 2 : i32
    %mul3A_0 = arith.muli %arg1, %mul3A : i32
    %add3A = arith.addi %mul3A_0, %arg0 : i32
    %mul3A_1 = arith.constant 128 : i32
    %mul3A_2 = arith.muli %add3A, %mul3A_1 : i32
    %mul3A_3 = arith.constant 6250 : i32
    %mul3A_4 = arith.muli %arg1, %mul3A_3 : i32
    %add3A_5 = arith.constant 0 : i32
    %add3A_6 = arith.addi %mul3A_4, %add3A_5 : i32
    %dma_start3A = arith.constant 0 : i32
    %dma_start3A_7 = arith.constant 0 : i32
    %dma_start3A_8 = arith.constant 0 : i32
    %dma_start3A_9 = tpu.memref_slice %arg8[%dma_start3A, %dma_start3A_7, %dma_start3A_8] : memref<4x200x128xbf16, #tpu.memory_space<vmem>> -> memref<1x125x128xbf16, #tpu.memory_space<vmem>>
    %dma_start3A_10 = tpu.memref_squeeze %dma_start3A_9 : memref<1x125x128xbf16, #tpu.memory_space<vmem>> -> memref<125x128xbf16, #tpu.memory_space<vmem>>
    %dma_start3A_11 = arith.constant 0 : i32
    %dma_start3A_12 = tpu.memref_slice %arg3[%add3A_6, %dma_start3A_11] : memref<100000x128xbf16, #tpu.memory_space<hbm>> -> memref<125x128xbf16, #tpu.memory_space<hbm>>
    %dma_start3A_13 = arith.constant 0 : i32
    %dma_start3A_14 = arith.constant 0 : i32
    %dma_start3A_15 = tpu.memref_slice %arg8[%dma_start3A, %dma_start3A_13, %dma_start3A_14] : memref<4x200x128xbf16, #tpu.memory_space<vmem>> -> memref<1x125x128xbf16, #tpu.memory_space<vmem>>
    %dma_start3A_16 = tpu.memref_squeeze %dma_start3A_15 : memref<1x125x128xbf16, #tpu.memory_space<vmem>> -> memref<125x128xbf16, #tpu.memory_space<vmem>>
    %dma_start3A_17 = arith.constant 0 : i32
    %dma_start3A_18 = tpu.memref_slice %arg3[%add3A_6, %dma_start3A_17] : memref<100000x128xbf16, #tpu.memory_space<hbm>> -> memref<125x128xbf16, #tpu.memory_space<hbm>>
    tpu.enqueue_dma source(%dma_start3A_18 : memref<125x128xbf16, #tpu.memory_space<hbm>>) target(%dma_start3A_16 : memref<125x128xbf16, #tpu.memory_space<vmem>>) target_semaphore(%arg17 : memref<!tpu.dma_semaphore, #tpu.memory_space<semaphore_mem>>)
    %add3A_19 = arith.constant 125 : i32
    %add3A_20 = arith.addi %mul3A_4, %add3A_19 : i32
    %dma_start3A_21 = arith.constant 1 : i32
    %dma_start3A_22 = arith.constant 0 : i32
    %dma_start3A_23 = arith.constant 0 : i32
    %dma_start3A_24 = tpu.memref_slice %arg8[%dma_start3A_21, %dma_start3A_22, %dma_start3A_23] : memref<4x200x128xbf16, #tpu.memory_space<vmem>> -> memref<1x125x128xbf16, #tpu.memory_space<vmem>>
    %dma_start3A_25 = tpu.memref_squeeze %dma_start3A_24 : memref<1x125x128xbf16, #tpu.memory_space<vmem>> -> memref<125x128xbf16, #tpu.memory_space<vmem>>
    %dma_start3A_26 = arith.constant 0 : i32
    %dma_start3A_27 = tpu.memref_slice %arg3[%add3A_20, %dma_start3A_26] : memref<100000x128xbf16, #tpu.memory_space<hbm>> -> memref<125x128xbf16, #tpu.memory_space<hbm>>
    %dma_start3A_28 = arith.constant 0 : i32
    %dma_start3A_29 = arith.constant 0 : i32
    %dma_start3A_30 = tpu.memref_slice %arg8[%dma_start3A_21, %dma_start3A_28, %dma_start3A_29] : memref<4x200x128xbf16, #tpu.memory_space<vmem>> -> memref<1x125x128xbf16, #tpu.memory_space<vmem>>
    %dma_start3A_31 = tpu.memref_squeeze %dma_start3A_30 : memref<1x125x128xbf16, #tpu.memory_space<vmem>> -> memref<125x128xbf16, #tpu.memory_space<vmem>>
    %dma_start3A_32 = arith.constant 0 : i32
    %dma_start3A_33 = tpu.memref_slice %arg3[%add3A_20, %dma_start3A_32] : memref<100000x128xbf16, #tpu.memory_space<hbm>> -> memref<125x128xbf16, #tpu.memory_space<hbm>>
    tpu.enqueue_dma source(%dma_start3A_33 : memref<125x128xbf16, #tpu.memory_space<hbm>>) target(%dma_start3A_31 : memref<125x128xbf16, #tpu.memory_space<vmem>>) target_semaphore(%arg18 : memref<!tpu.dma_semaphore, #tpu.memory_space<semaphore_mem>>)
    %scan3A = arith.constant 0 : i32
    %scan3A_34 = arith.constant 0 : i32
    %scan3A_35 = arith.constant 25 : i32
    %scan3A_36 = arith.addi %scan3A_34, %scan3A_35 : i32
    %scan3A_37 = arith.constant 1 : i32
    scf.for %scan3A_222 = %scan3A_34 to %scan3A_36 step %scan3A_37  : i32 {
      %mul3A_223 = arith.constant 2 : i32
      %mul3A_224 = arith.muli %scan3A_222, %mul3A_223 : i32
      %add3A_225 = arith.constant 0 : i32
      %add3A_226 = arith.addi %mul3A_224, %add3A_225 : i32
      %dma_wait3A_227 = arith.constant 0 : i32
      %dma_wait3A_228 = arith.constant 0 : i32
      %dma_wait3A_229 = arith.constant 0 : i32
      %dma_wait3A_230 = tpu.memref_slice %arg8[%dma_wait3A_227, %dma_wait3A_228, %dma_wait3A_229] : memref<4x200x128xbf16, #tpu.memory_space<vmem>> -> memref<1x125x128xbf16, #tpu.memory_space<vmem>>
      %dma_wait3A_231 = tpu.memref_squeeze %dma_wait3A_230 : memref<1x125x128xbf16, #tpu.memory_space<vmem>> -> memref<125x128xbf16, #tpu.memory_space<vmem>>
      %dma_wait3A_232 = arith.constant 0 : i32
      %dma_wait3A_233 = arith.constant 0 : i32
      %dma_wait3A_234 = tpu.memref_slice %arg3[%dma_wait3A_232, %dma_wait3A_233] : memref<100000x128xbf16, #tpu.memory_space<hbm>> -> memref<125x128xbf16, #tpu.memory_space<hbm>>
      %dma_wait3A_235 = arith.constant 0 : i32
      %dma_wait3A_236 = arith.constant 0 : i32
      %dma_wait3A_237 = tpu.memref_slice %arg8[%dma_wait3A_227, %dma_wait3A_235, %dma_wait3A_236] : memref<4x200x128xbf16, #tpu.memory_space<vmem>> -> memref<1x125x128xbf16, #tpu.memory_space<vmem>>
      %dma_wait3A_238 = tpu.memref_squeeze %dma_wait3A_237 : memref<1x125x128xbf16, #tpu.memory_space<vmem>> -> memref<125x128xbf16, #tpu.memory_space<vmem>>
      %dma_wait3A_239 = arith.constant 0 : i32
      %dma_wait3A_240 = arith.constant 0 : i32
      %dma_wait3A_241 = tpu.memref_slice %arg3[%dma_wait3A_239, %dma_wait3A_240] : memref<100000x128xbf16, #tpu.memory_space<hbm>> -> memref<125x128xbf16, #tpu.memory_space<hbm>>
      tpu.wait_dma2 semaphore(%arg17 : memref<!tpu.dma_semaphore, #tpu.memory_space<semaphore_mem>>) src(%dma_wait3A_241 : memref<125x128xbf16, #tpu.memory_space<hbm>>) dst(%dma_wait3A_238 : memref<125x128xbf16, #tpu.memory_space<vmem>>)
      %gt3A = arith.constant 0 : i32
      %gt3A_242 = arith.cmpi sgt, %scan3A_222, %gt3A : i32
      %convert_element_type3A = arith.extui %gt3A_242 : i1 to i32
      %cond3A = arith.constant 0 : i32
      %cond3A_243 = arith.cmpi ne, %convert_element_type3A, %cond3A : i32
      scf.if %cond3A_243 {
        %dma_wait3A_341 = arith.constant 0 : i32
        %dma_wait3A_342 = arith.constant 0 : i32
        %dma_wait3A_343 = arith.constant 0 : i32
        %dma_wait3A_344 = tpu.memref_slice %arg7[%dma_wait3A_341, %dma_wait3A_342, %dma_wait3A_343] : memref<4x200x64xi32, #tpu.memory_space<vmem>> -> memref<1x125x64xi32, #tpu.memory_space<vmem>>
        %dma_wait3A_345 = tpu.memref_squeeze %dma_wait3A_344 : memref<1x125x64xi32, #tpu.memory_space<vmem>> -> memref<125x64xi32, #tpu.memory_space<vmem>>
        %dma_wait3A_346 = arith.constant 0 : i32
        %dma_wait3A_347 = arith.constant 0 : i32
        %dma_wait3A_348 = tpu.memref_slice %arg5[%arg0, %dma_wait3A_346, %dma_wait3A_347] : memref<2x100000x64xi32, #tpu.memory_space<hbm>> -> memref<1x100000x64xi32, #tpu.memory_space<hbm>>
        %dma_wait3A_349 = tpu.memref_squeeze %dma_wait3A_348 : memref<1x100000x64xi32, #tpu.memory_space<hbm>> -> memref<100000x64xi32, #tpu.memory_space<hbm>>
        %dma_wait3A_350 = arith.constant 0 : i32
        %dma_wait3A_351 = arith.constant 0 : i32
        %dma_wait3A_352 = tpu.memref_slice %dma_wait3A_349[%dma_wait3A_350, %dma_wait3A_351] : memref<100000x64xi32, #tpu.memory_space<hbm>> -> memref<125x64xi32, #tpu.memory_space<hbm>>
        %dma_wait3A_353 = arith.constant 0 : i32
        %dma_wait3A_354 = arith.constant 0 : i32
        %dma_wait3A_355 = tpu.memref_slice %arg5[%arg0, %dma_wait3A_353, %dma_wait3A_354] : memref<2x100000x64xi32, #tpu.memory_space<hbm>> -> memref<1x100000x64xi32, #tpu.memory_space<hbm>>
        %dma_wait3A_356 = tpu.memref_squeeze %dma_wait3A_355 : memref<1x100000x64xi32, #tpu.memory_space<hbm>> -> memref<100000x64xi32, #tpu.memory_space<hbm>>
        %dma_wait3A_357 = arith.constant 0 : i32
        %dma_wait3A_358 = arith.constant 0 : i32
        %dma_wait3A_359 = tpu.memref_slice %dma_wait3A_356[%dma_wait3A_357, %dma_wait3A_358] : memref<100000x64xi32, #tpu.memory_space<hbm>> -> memref<125x64xi32, #tpu.memory_space<hbm>>
        %dma_wait3A_360 = arith.constant 0 : i32
        %dma_wait3A_361 = arith.constant 0 : i32
        %dma_wait3A_362 = tpu.memref_slice %arg7[%dma_wait3A_341, %dma_wait3A_360, %dma_wait3A_361] : memref<4x200x64xi32, #tpu.memory_space<vmem>> -> memref<1x125x64xi32, #tpu.memory_space<vmem>>
        %dma_wait3A_363 = tpu.memref_squeeze %dma_wait3A_362 : memref<1x125x64xi32, #tpu.memory_space<vmem>> -> memref<125x64xi32, #tpu.memory_space<vmem>>
        tpu.wait_dma2 semaphore(%arg13 : memref<!tpu.dma_semaphore, #tpu.memory_space<semaphore_mem>>) src(%dma_wait3A_363 : memref<125x64xi32, #tpu.memory_space<vmem>>) dst(%dma_wait3A_359 : memref<125x64xi32, #tpu.memory_space<hbm>>)
      } else {
      }
      %scan3A_244 = arith.constant 0 : i32
      %scan3A_245 = arith.constant 0 : i32
      %scan3A_246 = arith.constant 0 : i32
      %scan3A_247 = arith.constant 0 : i32
      %scan3A_248 = arith.constant 125 : i32
      %scan3A_249 = arith.addi %scan3A_247, %scan3A_248 : i32
      %scan3A_250 = arith.constant 1 : i32
      scf.for %scan3A_341 = %scan3A_247 to %scan3A_249 step %scan3A_250  : i32 {
        %get3A = arith.constant 0 : i32
        %get3A_342 = arith.constant 0 : i32
        %get3A_343 = tpu.memref_slice %arg8[%scan3A_245, %get3A, %get3A_342] : memref<4x200x128xbf16, #tpu.memory_space<vmem>> -> memref<1x200x128xbf16, #tpu.memory_space<vmem>>
        %get3A_344 = tpu.memref_squeeze %get3A_343 : memref<1x200x128xbf16, #tpu.memory_space<vmem>> -> memref<200x128xbf16, #tpu.memory_space<vmem>>
        %get3A_345 = arith.index_cast %scan3A_341 : i32 to index
        %get3A_346 = arith.constant 0 : index
        %get3A_347 = tpu.vector_load %get3A_344[%get3A_345, %get3A_346] {strides = array<i32>} : memref<200x128xbf16, #tpu.memory_space<vmem>>, vector<32xbf16>,
        %bitcast3A = vector.bitcast %get3A_347 : vector<32xbf16> to vector<16xi32>
        %swap3A = arith.constant 0 : i32
        %swap3A_348 = arith.constant 0 : i32
        %swap3A_349 = tpu.memref_slice %arg7[%scan3A_246, %swap3A, %swap3A_348] : memref<4x200x64xi32, #tpu.memory_space<vmem>> -> memref<1x200x64xi32, #tpu.memory_space<vmem>>
        %swap3A_350 = tpu.memref_squeeze %swap3A_349 : memref<1x200x64xi32, #tpu.memory_space<vmem>> -> memref<200x64xi32, #tpu.memory_space<vmem>>
        %swap3A_351 = arith.index_cast %scan3A_341 : i32 to index
        %swap3A_352 = arith.constant 0 : index
        %swap3A_353 = tpu.vector_load %swap3A_350[%swap3A_351, %swap3A_352] {strides = array<i32>} : memref<200x64xi32, #tpu.memory_space<vmem>>, vector<16xi32>,
        tpu.vector_store %swap3A_350[%swap3A_351, %swap3A_352], %bitcast3A {strides = array<i32>} : memref<200x64xi32, #tpu.memory_space<vmem>>, vector<16xi32>,
        %get3A_354 = arith.constant 0 : i32
        %get3A_355 = arith.constant 0 : i32
        %get3A_356 = tpu.memref_slice %arg8[%scan3A_245, %get3A_354, %get3A_355] : memref<4x200x128xbf16, #tpu.memory_space<vmem>> -> memref<1x200x128xbf16, #tpu.memory_space<vmem>>
        %get3A_357 = tpu.memref_squeeze %get3A_356 : memref<1x200x128xbf16, #tpu.memory_space<vmem>> -> memref<200x128xbf16, #tpu.memory_space<vmem>>
        %get3A_358 = arith.index_cast %scan3A_341 : i32 to index
        %get3A_359 = arith.constant 32 : index
        %get3A_360 = tpu.vector_load %get3A_357[%get3A_358, %get3A_359] {strides = array<i32>} : memref<200x128xbf16, #tpu.memory_space<vmem>>, vector<32xbf16>,
        %bitcast3A_361 = vector.bitcast %get3A_360 : vector<32xbf16> to vector<16xi32>
        %swap3A_362 = arith.constant 0 : i32
        %swap3A_363 = arith.constant 0 : i32
        %swap3A_364 = tpu.memref_slice %arg7[%scan3A_246, %swap3A_362, %swap3A_363] : memref<4x200x64xi32, #tpu.memory_space<vmem>> -> memref<1x200x64xi32, #tpu.memory_space<vmem>>
        %swap3A_365 = tpu.memref_squeeze %swap3A_364 : memref<1x200x64xi32, #tpu.memory_space<vmem>> -> memref<200x64xi32, #tpu.memory_space<vmem>>
        %swap3A_366 = arith.index_cast %scan3A_341 : i32 to index
        %swap3A_367 = arith.constant 16 : index
        %swap3A_368 = tpu.vector_load %swap3A_365[%swap3A_366, %swap3A_367] {strides = array<i32>} : memref<200x64xi32, #tpu.memory_space<vmem>>, vector<16xi32>,
        tpu.vector_store %swap3A_365[%swap3A_366, %swap3A_367], %bitcast3A_361 {strides = array<i32>} : memref<200x64xi32, #tpu.memory_space<vmem>>, vector<16xi32>,
        %get3A_369 = arith.constant 0 : i32
        %get3A_370 = arith.constant 0 : i32
        %get3A_371 = tpu.memref_slice %arg8[%scan3A_245, %get3A_369, %get3A_370] : memref<4x200x128xbf16, #tpu.memory_space<vmem>> -> memref<1x200x128xbf16, #tpu.memory_space<vmem>>
        %get3A_372 = tpu.memref_squeeze %get3A_371 : memref<1x200x128xbf16, #tpu.memory_space<vmem>> -> memref<200x128xbf16, #tpu.memory_space<vmem>>
        %get3A_373 = arith.index_cast %scan3A_341 : i32 to index
        %get3A_374 = arith.constant 64 : index
        %get3A_375 = tpu.vector_load %get3A_372[%get3A_373, %get3A_374] {strides = array<i32>} : memref<200x128xbf16, #tpu.memory_space<vmem>>, vector<32xbf16>,
        %bitcast3A_376 = vector.bitcast %get3A_375 : vector<32xbf16> to vector<16xi32>
        %swap3A_377 = arith.constant 0 : i32
        %swap3A_378 = arith.constant 0 : i32
        %swap3A_379 = tpu.memref_slice %arg7[%scan3A_246, %swap3A_377, %swap3A_378] : memref<4x200x64xi32, #tpu.memory_space<vmem>> -> memref<1x200x64xi32, #tpu.memory_space<vmem>>
        %swap3A_380 = tpu.memref_squeeze %swap3A_379 : memref<1x200x64xi32, #tpu.memory_space<vmem>> -> memref<200x64xi32, #tpu.memory_space<vmem>>
        %swap3A_381 = arith.index_cast %scan3A_341 : i32 to index
        %swap3A_382 = arith.constant 32 : index
        %swap3A_383 = tpu.vector_load %swap3A_380[%swap3A_381, %swap3A_382] {strides = array<i32>} : memref<200x64xi32, #tpu.memory_space<vmem>>, vector<16xi32>,
        tpu.vector_store %swap3A_380[%swap3A_381, %swap3A_382], %bitcast3A_376 {strides = array<i32>} : memref<200x64xi32, #tpu.memory_space<vmem>>, vector<16xi32>,
        %get3A_384 = arith.constant 0 : i32
        %get3A_385 = arith.constant 0 : i32
        %get3A_386 = tpu.memref_slice %arg8[%scan3A_245, %get3A_384, %get3A_385] : memref<4x200x128xbf16, #tpu.memory_space<vmem>> -> memref<1x200x128xbf16, #tpu.memory_space<vmem>>
        %get3A_387 = tpu.memref_squeeze %get3A_386 : memref<1x200x128xbf16, #tpu.memory_space<vmem>> -> memref<200x128xbf16, #tpu.memory_space<vmem>>
        %get3A_388 = arith.index_cast %scan3A_341 : i32 to index
        %get3A_389 = arith.constant 96 : index
        %get3A_390 = tpu.vector_load %get3A_387[%get3A_388, %get3A_389] {strides = array<i32>} : memref<200x128xbf16, #tpu.memory_space<vmem>>, vector<32xbf16>,
        %bitcast3A_391 = vector.bitcast %get3A_390 : vector<32xbf16> to vector<16xi32>
        %swap3A_392 = arith.constant 0 : i32
        %swap3A_393 = arith.constant 0 : i32
        %swap3A_394 = tpu.memref_slice %arg7[%scan3A_246, %swap3A_392, %swap3A_393] : memref<4x200x64xi32, #tpu.memory_space<vmem>> -> memref<1x200x64xi32, #tpu.memory_space<vmem>>
        %swap3A_395 = tpu.memref_squeeze %swap3A_394 : memref<1x200x64xi32, #tpu.memory_space<vmem>> -> memref<200x64xi32, #tpu.memory_space<vmem>>
        %swap3A_396 = arith.index_cast %scan3A_341 : i32 to index
        %swap3A_397 = arith.constant 48 : index
        %swap3A_398 = tpu.vector_load %swap3A_395[%swap3A_396, %swap3A_397] {strides = array<i32>} : memref<200x64xi32, #tpu.memory_space<vmem>>, vector<16xi32>,
        tpu.vector_store %swap3A_395[%swap3A_396, %swap3A_397], %bitcast3A_391 {strides = array<i32>} : memref<200x64xi32, #tpu.memory_space<vmem>>, vector<16xi32>,
      }
      %scan3A_251 = arith.constant 125 : i32
      %lt3A = arith.constant 24 : i32
      %lt3A_252 = arith.cmpi slt, %scan3A_222, %lt3A : i32
      %convert_element_type3A_253 = arith.extui %lt3A_252 : i1 to i32
      %cond3A_254 = arith.constant 0 : i32
      %cond3A_255 = arith.cmpi ne, %convert_element_type3A_253, %cond3A_254 : i32
      scf.if %cond3A_255 {
        %add3A_341 = arith.constant 1 : i32
        %add3A_342 = arith.addi %scan3A_222, %add3A_341 : i32
        %mul3A_343 = arith.constant 2 : i32
        %mul3A_344 = arith.muli %add3A_342, %mul3A_343 : i32
        %add3A_345 = arith.constant 0 : i32
        %add3A_346 = arith.addi %mul3A_344, %add3A_345 : i32
        %mul3A_347 = arith.constant 125 : i32
        %mul3A_348 = arith.muli %add3A_346, %mul3A_347 : i32
        %add3A_349 = arith.addi %mul3A_4, %mul3A_348 : i32
        %dma_start3A_350 = arith.constant 0 : i32
        %dma_start3A_351 = arith.constant 0 : i32
        %dma_start3A_352 = arith.constant 0 : i32
        %dma_start3A_353 = tpu.memref_slice %arg8[%dma_start3A_350, %dma_start3A_351, %dma_start3A_352] : memref<4x200x128xbf16, #tpu.memory_space<vmem>> -> memref<1x125x128xbf16, #tpu.memory_space<vmem>>
        %dma_start3A_354 = tpu.memref_squeeze %dma_start3A_353 : memref<1x125x128xbf16, #tpu.memory_space<vmem>> -> memref<125x128xbf16, #tpu.memory_space<vmem>>
        %dma_start3A_355 = arith.constant 0 : i32
        %dma_start3A_356 = tpu.memref_slice %arg3[%add3A_349, %dma_start3A_355] : memref<100000x128xbf16, #tpu.memory_space<hbm>> -> memref<125x128xbf16, #tpu.memory_space<hbm>>
        %dma_start3A_357 = arith.constant 0 : i32
        %dma_start3A_358 = arith.constant 0 : i32
        %dma_start3A_359 = tpu.memref_slice %arg8[%dma_start3A_350, %dma_start3A_357, %dma_start3A_358] : memref<4x200x128xbf16, #tpu.memory_space<vmem>> -> memref<1x125x128xbf16, #tpu.memory_space<vmem>>
        %dma_start3A_360 = tpu.memref_squeeze %dma_start3A_359 : memref<1x125x128xbf16, #tpu.memory_space<vmem>> -> memref<125x128xbf16, #tpu.memory_space<vmem>>
        %dma_start3A_361 = arith.constant 0 : i32
        %dma_start3A_362 = tpu.memref_slice %arg3[%add3A_349, %dma_start3A_361] : memref<100000x128xbf16, #tpu.memory_space<hbm>> -> memref<125x128xbf16, #tpu.memory_space<hbm>>
        tpu.enqueue_dma source(%dma_start3A_362 : memref<125x128xbf16, #tpu.memory_space<hbm>>) target(%dma_start3A_360 : memref<125x128xbf16, #tpu.memory_space<vmem>>) target_semaphore(%arg17 : memref<!tpu.dma_semaphore, #tpu.memory_space<semaphore_mem>>)
      } else {
      }
      %mul3A_256 = arith.constant 125 : i32
      %mul3A_257 = arith.muli %add3A_226, %mul3A_256 : i32
      %add3A_258 = arith.addi %mul3A_4, %mul3A_257 : i32
      %dma_start3A_259 = arith.constant 0 : i32
      %dma_start3A_260 = arith.constant 0 : i32
      %dma_start3A_261 = arith.constant 0 : i32
      %dma_start3A_262 = tpu.memref_slice %arg7[%dma_start3A_259, %dma_start3A_260, %dma_start3A_261] : memref<4x200x64xi32, #tpu.memory_space<vmem>> -> memref<1x125x64xi32, #tpu.memory_space<vmem>>
      %dma_start3A_263 = tpu.memref_squeeze %dma_start3A_262 : memref<1x125x64xi32, #tpu.memory_space<vmem>> -> memref<125x64xi32, #tpu.memory_space<vmem>>
      %dma_start3A_264 = arith.constant 0 : i32
      %dma_start3A_265 = arith.constant 0 : i32
      %dma_start3A_266 = tpu.memref_slice %arg5[%arg0, %dma_start3A_264, %dma_start3A_265] : memref<2x100000x64xi32, #tpu.memory_space<hbm>> -> memref<1x100000x64xi32, #tpu.memory_space<hbm>>
      %dma_start3A_267 = tpu.memref_squeeze %dma_start3A_266 : memref<1x100000x64xi32, #tpu.memory_space<hbm>> -> memref<100000x64xi32, #tpu.memory_space<hbm>>
      %dma_start3A_268 = arith.constant 0 : i32
      %dma_start3A_269 = tpu.memref_slice %dma_start3A_267[%add3A_258, %dma_start3A_268] : memref<100000x64xi32, #tpu.memory_space<hbm>> -> memref<125x64xi32, #tpu.memory_space<hbm>>
      %dma_start3A_270 = arith.constant 0 : i32
      %dma_start3A_271 = arith.constant 0 : i32
      %dma_start3A_272 = tpu.memref_slice %arg5[%arg0, %dma_start3A_270, %dma_start3A_271] : memref<2x100000x64xi32, #tpu.memory_space<hbm>> -> memref<1x100000x64xi32, #tpu.memory_space<hbm>>
      %dma_start3A_273 = tpu.memref_squeeze %dma_start3A_272 : memref<1x100000x64xi32, #tpu.memory_space<hbm>> -> memref<100000x64xi32, #tpu.memory_space<hbm>>
      %dma_start3A_274 = arith.constant 0 : i32
      %dma_start3A_275 = tpu.memref_slice %dma_start3A_273[%add3A_258, %dma_start3A_274] : memref<100000x64xi32, #tpu.memory_space<hbm>> -> memref<125x64xi32, #tpu.memory_space<hbm>>
      %dma_start3A_276 = arith.constant 0 : i32
      %dma_start3A_277 = arith.constant 0 : i32
      %dma_start3A_278 = tpu.memref_slice %arg7[%dma_start3A_259, %dma_start3A_276, %dma_start3A_277] : memref<4x200x64xi32, #tpu.memory_space<vmem>> -> memref<1x125x64xi32, #tpu.memory_space<vmem>>
      %dma_start3A_279 = tpu.memref_squeeze %dma_start3A_278 : memref<1x125x64xi32, #tpu.memory_space<vmem>> -> memref<125x64xi32, #tpu.memory_space<vmem>>
      tpu.enqueue_dma source(%dma_start3A_279 : memref<125x64xi32, #tpu.memory_space<vmem>>) target(%dma_start3A_275 : memref<125x64xi32, #tpu.memory_space<hbm>>) target_semaphore(%arg13 : memref<!tpu.dma_semaphore, #tpu.memory_space<semaphore_mem>>)
      %mul3A_280 = arith.constant 2 : i32
      %mul3A_281 = arith.muli %scan3A_222, %mul3A_280 : i32
      %add3A_282 = arith.constant 1 : i32
      %add3A_283 = arith.addi %mul3A_281, %add3A_282 : i32
      %dma_wait3A_284 = arith.constant 1 : i32
      %dma_wait3A_285 = arith.constant 0 : i32
      %dma_wait3A_286 = arith.constant 0 : i32
      %dma_wait3A_287 = tpu.memref_slice %arg8[%dma_wait3A_284, %dma_wait3A_285, %dma_wait3A_286] : memref<4x200x128xbf16, #tpu.memory_space<vmem>> -> memref<1x125x128xbf16, #tpu.memory_space<vmem>>
      %dma_wait3A_288 = tpu.memref_squeeze %dma_wait3A_287 : memref<1x125x128xbf16, #tpu.memory_space<vmem>> -> memref<125x128xbf16, #tpu.memory_space<vmem>>
      %dma_wait3A_289 = arith.constant 0 : i32
      %dma_wait3A_290 = arith.constant 0 : i32
      %dma_wait3A_291 = tpu.memref_slice %arg3[%dma_wait3A_289, %dma_wait3A_290] : memref<100000x128xbf16, #tpu.memory_space<hbm>> -> memref<125x128xbf16, #tpu.memory_space<hbm>>
      %dma_wait3A_292 = arith.constant 0 : i32
      %dma_wait3A_293 = arith.constant 0 : i32
      %dma_wait3A_294 = tpu.memref_slice %arg8[%dma_wait3A_284, %dma_wait3A_292, %dma_wait3A_293] : memref<4x200x128xbf16, #tpu.memory_space<vmem>> -> memref<1x125x128xbf16, #tpu.memory_space<vmem>>
      %dma_wait3A_295 = tpu.memref_squeeze %dma_wait3A_294 : memref<1x125x128xbf16, #tpu.memory_space<vmem>> -> memref<125x128xbf16, #tpu.memory_space<vmem>>
      %dma_wait3A_296 = arith.constant 0 : i32
      %dma_wait3A_297 = arith.constant 0 : i32
      %dma_wait3A_298 = tpu.memref_slice %arg3[%dma_wait3A_296, %dma_wait3A_297] : memref<100000x128xbf16, #tpu.memory_space<hbm>> -> memref<125x128xbf16, #tpu.memory_space<hbm>>
      tpu.wait_dma2 semaphore(%arg18 : memref<!tpu.dma_semaphore, #tpu.memory_space<semaphore_mem>>) src(%dma_wait3A_298 : memref<125x128xbf16, #tpu.memory_space<hbm>>) dst(%dma_wait3A_295 : memref<125x128xbf16, #tpu.memory_space<vmem>>)
      %gt3A_299 = arith.constant 0 : i32
      %gt3A_300 = arith.cmpi sgt, %scan3A_222, %gt3A_299 : i32
      %convert_element_type3A_301 = arith.extui %gt3A_300 : i1 to i32
      %cond3A_302 = arith.constant 0 : i32
      %cond3A_303 = arith.cmpi ne, %convert_element_type3A_301, %cond3A_302 : i32
      scf.if %cond3A_303 {
        %dma_wait3A_341 = arith.constant 1 : i32
        %dma_wait3A_342 = arith.constant 0 : i32
        %dma_wait3A_343 = arith.constant 0 : i32
        %dma_wait3A_344 = tpu.memref_slice %arg7[%dma_wait3A_341, %dma_wait3A_342, %dma_wait3A_343] : memref<4x200x64xi32, #tpu.memory_space<vmem>> -> memref<1x125x64xi32, #tpu.memory_space<vmem>>
        %dma_wait3A_345 = tpu.memref_squeeze %dma_wait3A_344 : memref<1x125x64xi32, #tpu.memory_space<vmem>> -> memref<125x64xi32, #tpu.memory_space<vmem>>
        %dma_wait3A_346 = arith.constant 0 : i32
        %dma_wait3A_347 = arith.constant 0 : i32
        %dma_wait3A_348 = tpu.memref_slice %arg5[%arg0, %dma_wait3A_346, %dma_wait3A_347] : memref<2x100000x64xi32, #tpu.memory_space<hbm>> -> memref<1x100000x64xi32, #tpu.memory_space<hbm>>
        %dma_wait3A_349 = tpu.memref_squeeze %dma_wait3A_348 : memref<1x100000x64xi32, #tpu.memory_space<hbm>> -> memref<100000x64xi32, #tpu.memory_space<hbm>>
        %dma_wait3A_350 = arith.constant 0 : i32
        %dma_wait3A_351 = arith.constant 0 : i32
        %dma_wait3A_352 = tpu.memref_slice %dma_wait3A_349[%dma_wait3A_350, %dma_wait3A_351] : memref<100000x64xi32, #tpu.memory_space<hbm>> -> memref<125x64xi32, #tpu.memory_space<hbm>>
        %dma_wait3A_353 = arith.constant 0 : i32
        %dma_wait3A_354 = arith.constant 0 : i32
        %dma_wait3A_355 = tpu.memref_slice %arg5[%arg0, %dma_wait3A_353, %dma_wait3A_354] : memref<2x100000x64xi32, #tpu.memory_space<hbm>> -> memref<1x100000x64xi32, #tpu.memory_space<hbm>>
        %dma_wait3A_356 = tpu.memref_squeeze %dma_wait3A_355 : memref<1x100000x64xi32, #tpu.memory_space<hbm>> -> memref<100000x64xi32, #tpu.memory_space<hbm>>
        %dma_wait3A_357 = arith.constant 0 : i32
        %dma_wait3A_358 = arith.constant 0 : i32
        %dma_wait3A_359 = tpu.memref_slice %dma_wait3A_356[%dma_wait3A_357, %dma_wait3A_358] : memref<100000x64xi32, #tpu.memory_space<hbm>> -> memref<125x64xi32, #tpu.memory_space<hbm>>
        %dma_wait3A_360 = arith.constant 0 : i32
        %dma_wait3A_361 = arith.constant 0 : i32
        %dma_wait3A_362 = tpu.memref_slice %arg7[%dma_wait3A_341, %dma_wait3A_360, %dma_wait3A_361] : memref<4x200x64xi32, #tpu.memory_space<vmem>> -> memref<1x125x64xi32, #tpu.memory_space<vmem>>
        %dma_wait3A_363 = tpu.memref_squeeze %dma_wait3A_362 : memref<1x125x64xi32, #tpu.memory_space<vmem>> -> memref<125x64xi32, #tpu.memory_space<vmem>>
        tpu.wait_dma2 semaphore(%arg14 : memref<!tpu.dma_semaphore, #tpu.memory_space<semaphore_mem>>) src(%dma_wait3A_363 : memref<125x64xi32, #tpu.memory_space<vmem>>) dst(%dma_wait3A_359 : memref<125x64xi32, #tpu.memory_space<hbm>>)
      } else {
      }
      %scan3A_304 = arith.constant 0 : i32
      %scan3A_305 = arith.constant 1 : i32
      %scan3A_306 = arith.constant 1 : i32
      %scan3A_307 = arith.constant 0 : i32
      %scan3A_308 = arith.constant 125 : i32
      %scan3A_309 = arith.addi %scan3A_307, %scan3A_308 : i32
      %scan3A_310 = arith.constant 1 : i32
      scf.for %scan3A_341 = %scan3A_307 to %scan3A_309 step %scan3A_310  : i32 {
        %get3A = arith.constant 0 : i32
        %get3A_342 = arith.constant 0 : i32
        %get3A_343 = tpu.memref_slice %arg8[%scan3A_305, %get3A, %get3A_342] : memref<4x200x128xbf16, #tpu.memory_space<vmem>> -> memref<1x200x128xbf16, #tpu.memory_space<vmem>>
        %get3A_344 = tpu.memref_squeeze %get3A_343 : memref<1x200x128xbf16, #tpu.memory_space<vmem>> -> memref<200x128xbf16, #tpu.memory_space<vmem>>
        %get3A_345 = arith.index_cast %scan3A_341 : i32 to index
        %get3A_346 = arith.constant 0 : index
        %get3A_347 = tpu.vector_load %get3A_344[%get3A_345, %get3A_346] {strides = array<i32>} : memref<200x128xbf16, #tpu.memory_space<vmem>>, vector<32xbf16>,
        %bitcast3A = vector.bitcast %get3A_347 : vector<32xbf16> to vector<16xi32>
        %swap3A = arith.constant 0 : i32
        %swap3A_348 = arith.constant 0 : i32
        %swap3A_349 = tpu.memref_slice %arg7[%scan3A_306, %swap3A, %swap3A_348] : memref<4x200x64xi32, #tpu.memory_space<vmem>> -> memref<1x200x64xi32, #tpu.memory_space<vmem>>
        %swap3A_350 = tpu.memref_squeeze %swap3A_349 : memref<1x200x64xi32, #tpu.memory_space<vmem>> -> memref<200x64xi32, #tpu.memory_space<vmem>>
        %swap3A_351 = arith.index_cast %scan3A_341 : i32 to index
        %swap3A_352 = arith.constant 0 : index
        %swap3A_353 = tpu.vector_load %swap3A_350[%swap3A_351, %swap3A_352] {strides = array<i32>} : memref<200x64xi32, #tpu.memory_space<vmem>>, vector<16xi32>,
        tpu.vector_store %swap3A_350[%swap3A_351, %swap3A_352], %bitcast3A {strides = array<i32>} : memref<200x64xi32, #tpu.memory_space<vmem>>, vector<16xi32>,
        %get3A_354 = arith.constant 0 : i32
        %get3A_355 = arith.constant 0 : i32
        %get3A_356 = tpu.memref_slice %arg8[%scan3A_305, %get3A_354, %get3A_355] : memref<4x200x128xbf16, #tpu.memory_space<vmem>> -> memref<1x200x128xbf16, #tpu.memory_space<vmem>>
        %get3A_357 = tpu.memref_squeeze %get3A_356 : memref<1x200x128xbf16, #tpu.memory_space<vmem>> -> memref<200x128xbf16, #tpu.memory_space<vmem>>
        %get3A_358 = arith.index_cast %scan3A_341 : i32 to index
        %get3A_359 = arith.constant 32 : index
        %get3A_360 = tpu.vector_load %get3A_357[%get3A_358, %get3A_359] {strides = array<i32>} : memref<200x128xbf16, #tpu.memory_space<vmem>>, vector<32xbf16>,
        %bitcast3A_361 = vector.bitcast %get3A_360 : vector<32xbf16> to vector<16xi32>
        %swap3A_362 = arith.constant 0 : i32
        %swap3A_363 = arith.constant 0 : i32
        %swap3A_364 = tpu.memref_slice %arg7[%scan3A_306, %swap3A_362, %swap3A_363] : memref<4x200x64xi32, #tpu.memory_space<vmem>> -> memref<1x200x64xi32, #tpu.memory_space<vmem>>
        %swap3A_365 = tpu.memref_squeeze %swap3A_364 : memref<1x200x64xi32, #tpu.memory_space<vmem>> -> memref<200x64xi32, #tpu.memory_space<vmem>>
        %swap3A_366 = arith.index_cast %scan3A_341 : i32 to index
        %swap3A_367 = arith.constant 16 : index
        %swap3A_368 = tpu.vector_load %swap3A_365[%swap3A_366, %swap3A_367] {strides = array<i32>} : memref<200x64xi32, #tpu.memory_space<vmem>>, vector<16xi32>,
        tpu.vector_store %swap3A_365[%swap3A_366, %swap3A_367], %bitcast3A_361 {strides = array<i32>} : memref<200x64xi32, #tpu.memory_space<vmem>>, vector<16xi32>,
        %get3A_369 = arith.constant 0 : i32
        %get3A_370 = arith.constant 0 : i32
        %get3A_371 = tpu.memref_slice %arg8[%scan3A_305, %get3A_369, %get3A_370] : memref<4x200x128xbf16, #tpu.memory_space<vmem>> -> memref<1x200x128xbf16, #tpu.memory_space<vmem>>
        %get3A_372 = tpu.memref_squeeze %get3A_371 : memref<1x200x128xbf16, #tpu.memory_space<vmem>> -> memref<200x128xbf16, #tpu.memory_space<vmem>>
        %get3A_373 = arith.index_cast %scan3A_341 : i32 to index
        %get3A_374 = arith.constant 64 : index
        %get3A_375 = tpu.vector_load %get3A_372[%get3A_373, %get3A_374] {strides = array<i32>} : memref<200x128xbf16, #tpu.memory_space<vmem>>, vector<32xbf16>,
        %bitcast3A_376 = vector.bitcast %get3A_375 : vector<32xbf16> to vector<16xi32>
        %swap3A_377 = arith.constant 0 : i32
        %swap3A_378 = arith.constant 0 : i32
        %swap3A_379 = tpu.memref_slice %arg7[%scan3A_306, %swap3A_377, %swap3A_378] : memref<4x200x64xi32, #tpu.memory_space<vmem>> -> memref<1x200x64xi32, #tpu.memory_space<vmem>>
        %swap3A_380 = tpu.memref_squeeze %swap3A_379 : memref<1x200x64xi32, #tpu.memory_space<vmem>> -> memref<200x64xi32, #tpu.memory_space<vmem>>
        %swap3A_381 = arith.index_cast %scan3A_341 : i32 to index
        %swap3A_382 = arith.constant 32 : index
        %swap3A_383 = tpu.vector_load %swap3A_380[%swap3A_381, %swap3A_382] {strides = array<i32>} : memref<200x64xi32, #tpu.memory_space<vmem>>, vector<16xi32>,
        tpu.vector_store %swap3A_380[%swap3A_381, %swap3A_382], %bitcast3A_376 {strides = array<i32>} : memref<200x64xi32, #tpu.memory_space<vmem>>, vector<16xi32>,
        %get3A_384 = arith.constant 0 : i32
        %get3A_385 = arith.constant 0 : i32
        %get3A_386 = tpu.memref_slice %arg8[%scan3A_305, %get3A_384, %get3A_385] : memref<4x200x128xbf16, #tpu.memory_space<vmem>> -> memref<1x200x128xbf16, #tpu.memory_space<vmem>>
        %get3A_387 = tpu.memref_squeeze %get3A_386 : memref<1x200x128xbf16, #tpu.memory_space<vmem>> -> memref<200x128xbf16, #tpu.memory_space<vmem>>
        %get3A_388 = arith.index_cast %scan3A_341 : i32 to index
        %get3A_389 = arith.constant 96 : index
        %get3A_390 = tpu.vector_load %get3A_387[%get3A_388, %get3A_389] {strides = array<i32>} : memref<200x128xbf16, #tpu.memory_space<vmem>>, vector<32xbf16>,
        %bitcast3A_391 = vector.bitcast %get3A_390 : vector<32xbf16> to vector<16xi32>
        %swap3A_392 = arith.constant 0 : i32
        %swap3A_393 = arith.constant 0 : i32
        %swap3A_394 = tpu.memref_slice %arg7[%scan3A_306, %swap3A_392, %swap3A_393] : memref<4x200x64xi32, #tpu.memory_space<vmem>> -> memref<1x200x64xi32, #tpu.memory_space<vmem>>
        %swap3A_395 = tpu.memref_squeeze %swap3A_394 : memref<1x200x64xi32, #tpu.memory_space<vmem>> -> memref<200x64xi32, #tpu.memory_space<vmem>>
        %swap3A_396 = arith.index_cast %scan3A_341 : i32 to index
        %swap3A_397 = arith.constant 48 : index
        %swap3A_398 = tpu.vector_load %swap3A_395[%swap3A_396, %swap3A_397] {strides = array<i32>} : memref<200x64xi32, #tpu.memory_space<vmem>>, vector<16xi32>,
        tpu.vector_store %swap3A_395[%swap3A_396, %swap3A_397], %bitcast3A_391 {strides = array<i32>} : memref<200x64xi32, #tpu.memory_space<vmem>>, vector<16xi32>,
      }
      %scan3A_311 = arith.constant 125 : i32
      %lt3A_312 = arith.constant 24 : i32
      %lt3A_313 = arith.cmpi slt, %scan3A_222, %lt3A_312 : i32
      %convert_element_type3A_314 = arith.extui %lt3A_313 : i1 to i32
      %cond3A_315 = arith.constant 0 : i32
      %cond3A_316 = arith.cmpi ne, %convert_element_type3A_314, %cond3A_315 : i32
      scf.if %cond3A_316 {
        %add3A_341 = arith.constant 1 : i32
        %add3A_342 = arith.addi %scan3A_222, %add3A_341 : i32
        %mul3A_343 = arith.constant 2 : i32
        %mul3A_344 = arith.muli %add3A_342, %mul3A_343 : i32
        %add3A_345 = arith.constant 1 : i32
        %add3A_346 = arith.addi %mul3A_344, %add3A_345 : i32
        %mul3A_347 = arith.constant 125 : i32
        %mul3A_348 = arith.muli %add3A_346, %mul3A_347 : i32
        %add3A_349 = arith.addi %mul3A_4, %mul3A_348 : i32
        %dma_start3A_350 = arith.constant 1 : i32
        %dma_start3A_351 = arith.constant 0 : i32
        %dma_start3A_352 = arith.constant 0 : i32
        %dma_start3A_353 = tpu.memref_slice %arg8[%dma_start3A_350, %dma_start3A_351, %dma_start3A_352] : memref<4x200x128xbf16, #tpu.memory_space<vmem>> -> memref<1x125x128xbf16, #tpu.memory_space<vmem>>
        %dma_start3A_354 = tpu.memref_squeeze %dma_start3A_353 : memref<1x125x128xbf16, #tpu.memory_space<vmem>> -> memref<125x128xbf16, #tpu.memory_space<vmem>>
        %dma_start3A_355 = arith.constant 0 : i32
        %dma_start3A_356 = tpu.memref_slice %arg3[%add3A_349, %dma_start3A_355] : memref<100000x128xbf16, #tpu.memory_space<hbm>> -> memref<125x128xbf16, #tpu.memory_space<hbm>>
        %dma_start3A_357 = arith.constant 0 : i32
        %dma_start3A_358 = arith.constant 0 : i32
        %dma_start3A_359 = tpu.memref_slice %arg8[%dma_start3A_350, %dma_start3A_357, %dma_start3A_358] : memref<4x200x128xbf16, #tpu.memory_space<vmem>> -> memref<1x125x128xbf16, #tpu.memory_space<vmem>>
        %dma_start3A_360 = tpu.memref_squeeze %dma_start3A_359 : memref<1x125x128xbf16, #tpu.memory_space<vmem>> -> memref<125x128xbf16, #tpu.memory_space<vmem>>
        %dma_start3A_361 = arith.constant 0 : i32
        %dma_start3A_362 = tpu.memref_slice %arg3[%add3A_349, %dma_start3A_361] : memref<100000x128xbf16, #tpu.memory_space<hbm>> -> memref<125x128xbf16, #tpu.memory_space<hbm>>
        tpu.enqueue_dma source(%dma_start3A_362 : memref<125x128xbf16, #tpu.memory_space<hbm>>) target(%dma_start3A_360 : memref<125x128xbf16, #tpu.memory_space<vmem>>) target_semaphore(%arg18 : memref<!tpu.dma_semaphore, #tpu.memory_space<semaphore_mem>>)
      } else {
      }
      %mul3A_317 = arith.constant 125 : i32
      %mul3A_318 = arith.muli %add3A_283, %mul3A_317 : i32
      %add3A_319 = arith.addi %mul3A_4, %mul3A_318 : i32
      %dma_start3A_320 = arith.constant 1 : i32
      %dma_start3A_321 = arith.constant 0 : i32
      %dma_start3A_322 = arith.constant 0 : i32
      %dma_start3A_323 = tpu.memref_slice %arg7[%dma_start3A_320, %dma_start3A_321, %dma_start3A_322] : memref<4x200x64xi32, #tpu.memory_space<vmem>> -> memref<1x125x64xi32, #tpu.memory_space<vmem>>
      %dma_start3A_324 = tpu.memref_squeeze %dma_start3A_323 : memref<1x125x64xi32, #tpu.memory_space<vmem>> -> memref<125x64xi32, #tpu.memory_space<vmem>>
      %dma_start3A_325 = arith.constant 0 : i32
      %dma_start3A_326 = arith.constant 0 : i32
      %dma_start3A_327 = tpu.memref_slice %arg5[%arg0, %dma_start3A_325, %dma_start3A_326] : memref<2x100000x64xi32, #tpu.memory_space<hbm>> -> memref<1x100000x64xi32, #tpu.memory_space<hbm>>
      %dma_start3A_328 = tpu.memref_squeeze %dma_start3A_327 : memref<1x100000x64xi32, #tpu.memory_space<hbm>> -> memref<100000x64xi32, #tpu.memory_space<hbm>>
      %dma_start3A_329 = arith.constant 0 : i32
      %dma_start3A_330 = tpu.memref_slice %dma_start3A_328[%add3A_319, %dma_start3A_329] : memref<100000x64xi32, #tpu.memory_space<hbm>> -> memref<125x64xi32, #tpu.memory_space<hbm>>
      %dma_start3A_331 = arith.constant 0 : i32
      %dma_start3A_332 = arith.constant 0 : i32
      %dma_start3A_333 = tpu.memref_slice %arg5[%arg0, %dma_start3A_331, %dma_start3A_332] : memref<2x100000x64xi32, #tpu.memory_space<hbm>> -> memref<1x100000x64xi32, #tpu.memory_space<hbm>>
      %dma_start3A_334 = tpu.memref_squeeze %dma_start3A_333 : memref<1x100000x64xi32, #tpu.memory_space<hbm>> -> memref<100000x64xi32, #tpu.memory_space<hbm>>
      %dma_start3A_335 = arith.constant 0 : i32
      %dma_start3A_336 = tpu.memref_slice %dma_start3A_334[%add3A_319, %dma_start3A_335] : memref<100000x64xi32, #tpu.memory_space<hbm>> -> memref<125x64xi32, #tpu.memory_space<hbm>>
      %dma_start3A_337 = arith.constant 0 : i32
      %dma_start3A_338 = arith.constant 0 : i32
      %dma_start3A_339 = tpu.memref_slice %arg7[%dma_start3A_320, %dma_start3A_337, %dma_start3A_338] : memref<4x200x64xi32, #tpu.memory_space<vmem>> -> memref<1x125x64xi32, #tpu.memory_space<vmem>>
      %dma_start3A_340 = tpu.memref_squeeze %dma_start3A_339 : memref<1x125x64xi32, #tpu.memory_space<vmem>> -> memref<125x64xi32, #tpu.memory_space<vmem>>
      tpu.enqueue_dma source(%dma_start3A_340 : memref<125x64xi32, #tpu.memory_space<vmem>>) target(%dma_start3A_336 : memref<125x64xi32, #tpu.memory_space<hbm>>) target_semaphore(%arg14 : memref<!tpu.dma_semaphore, #tpu.memory_space<semaphore_mem>>)
    }
    %scan3A_38 = arith.constant 25 : i32
    %dma_wait3A = arith.constant 0 : i32
    %dma_wait3A_39 = arith.constant 0 : i32
    %dma_wait3A_40 = arith.constant 0 : i32
    %dma_wait3A_41 = tpu.memref_slice %arg7[%dma_wait3A, %dma_wait3A_39, %dma_wait3A_40] : memref<4x200x64xi32, #tpu.memory_space<vmem>> -> memref<1x125x64xi32, #tpu.memory_space<vmem>>
    %dma_wait3A_42 = tpu.memref_squeeze %dma_wait3A_41 : memref<1x125x64xi32, #tpu.memory_space<vmem>> -> memref<125x64xi32, #tpu.memory_space<vmem>>
    %dma_wait3A_43 = arith.constant 0 : i32
    %dma_wait3A_44 = arith.constant 0 : i32
    %dma_wait3A_45 = tpu.memref_slice %arg5[%arg0, %dma_wait3A_43, %dma_wait3A_44] : memref<2x100000x64xi32, #tpu.memory_space<hbm>> -> memref<1x100000x64xi32, #tpu.memory_space<hbm>>
    %dma_wait3A_46 = tpu.memref_squeeze %dma_wait3A_45 : memref<1x100000x64xi32, #tpu.memory_space<hbm>> -> memref<100000x64xi32, #tpu.memory_space<hbm>>
    %dma_wait3A_47 = arith.constant 0 : i32
    %dma_wait3A_48 = arith.constant 0 : i32
    %dma_wait3A_49 = tpu.memref_slice %dma_wait3A_46[%dma_wait3A_47, %dma_wait3A_48] : memref<100000x64xi32, #tpu.memory_space<hbm>> -> memref<125x64xi32, #tpu.memory_space<hbm>>
    %dma_wait3A_50 = arith.constant 0 : i32
    %dma_wait3A_51 = arith.constant 0 : i32
    %dma_wait3A_52 = tpu.memref_slice %arg5[%arg0, %dma_wait3A_50, %dma_wait3A_51] : memref<2x100000x64xi32, #tpu.memory_space<hbm>> -> memref<1x100000x64xi32, #tpu.memory_space<hbm>>
    %dma_wait3A_53 = tpu.memref_squeeze %dma_wait3A_52 : memref<1x100000x64xi32, #tpu.memory_space<hbm>> -> memref<100000x64xi32, #tpu.memory_space<hbm>>
    %dma_wait3A_54 = arith.constant 0 : i32
    %dma_wait3A_55 = arith.constant 0 : i32
    %dma_wait3A_56 = tpu.memref_slice %dma_wait3A_53[%dma_wait3A_54, %dma_wait3A_55] : memref<100000x64xi32, #tpu.memory_space<hbm>> -> memref<125x64xi32, #tpu.memory_space<hbm>>
    %dma_wait3A_57 = arith.constant 0 : i32
    %dma_wait3A_58 = arith.constant 0 : i32
    %dma_wait3A_59 = tpu.memref_slice %arg7[%dma_wait3A, %dma_wait3A_57, %dma_wait3A_58] : memref<4x200x64xi32, #tpu.memory_space<vmem>> -> memref<1x125x64xi32, #tpu.memory_space<vmem>>
    %dma_wait3A_60 = tpu.memref_squeeze %dma_wait3A_59 : memref<1x125x64xi32, #tpu.memory_space<vmem>> -> memref<125x64xi32, #tpu.memory_space<vmem>>
    tpu.wait_dma2 semaphore(%arg13 : memref<!tpu.dma_semaphore, #tpu.memory_space<semaphore_mem>>) src(%dma_wait3A_60 : memref<125x64xi32, #tpu.memory_space<vmem>>) dst(%dma_wait3A_56 : memref<125x64xi32, #tpu.memory_space<hbm>>)
    %dma_wait3A_61 = arith.constant 1 : i32
    %dma_wait3A_62 = arith.constant 0 : i32
    %dma_wait3A_63 = arith.constant 0 : i32
    %dma_wait3A_64 = tpu.memref_slice %arg7[%dma_wait3A_61, %dma_wait3A_62, %dma_wait3A_63] : memref<4x200x64xi32, #tpu.memory_space<vmem>> -> memref<1x125x64xi32, #tpu.memory_space<vmem>>
    %dma_wait3A_65 = tpu.memref_squeeze %dma_wait3A_64 : memref<1x125x64xi32, #tpu.memory_space<vmem>> -> memref<125x64xi32, #tpu.memory_space<vmem>>
    %dma_wait3A_66 = arith.constant 0 : i32
    %dma_wait3A_67 = arith.constant 0 : i32
    %dma_wait3A_68 = tpu.memref_slice %arg5[%arg0, %dma_wait3A_66, %dma_wait3A_67] : memref<2x100000x64xi32, #tpu.memory_space<hbm>> -> memref<1x100000x64xi32, #tpu.memory_space<hbm>>
    %dma_wait3A_69 = tpu.memref_squeeze %dma_wait3A_68 : memref<1x100000x64xi32, #tpu.memory_space<hbm>> -> memref<100000x64xi32, #tpu.memory_space<hbm>>
    %dma_wait3A_70 = arith.constant 0 : i32
    %dma_wait3A_71 = arith.constant 0 : i32
    %dma_wait3A_72 = tpu.memref_slice %dma_wait3A_69[%dma_wait3A_70, %dma_wait3A_71] : memref<100000x64xi32, #tpu.memory_space<hbm>> -> memref<125x64xi32, #tpu.memory_space<hbm>>
    %dma_wait3A_73 = arith.constant 0 : i32
    %dma_wait3A_74 = arith.constant 0 : i32
    %dma_wait3A_75 = tpu.memref_slice %arg5[%arg0, %dma_wait3A_73, %dma_wait3A_74] : memref<2x100000x64xi32, #tpu.memory_space<hbm>> -> memref<1x100000x64xi32, #tpu.memory_space<hbm>>
    %dma_wait3A_76 = tpu.memref_squeeze %dma_wait3A_75 : memref<1x100000x64xi32, #tpu.memory_space<hbm>> -> memref<100000x64xi32, #tpu.memory_space<hbm>>
    %dma_wait3A_77 = arith.constant 0 : i32
    %dma_wait3A_78 = arith.constant 0 : i32
    %dma_wait3A_79 = tpu.memref_slice %dma_wait3A_76[%dma_wait3A_77, %dma_wait3A_78] : memref<100000x64xi32, #tpu.memory_space<hbm>> -> memref<125x64xi32, #tpu.memory_space<hbm>>
    %dma_wait3A_80 = arith.constant 0 : i32
    %dma_wait3A_81 = arith.constant 0 : i32
    %dma_wait3A_82 = tpu.memref_slice %arg7[%dma_wait3A_61, %dma_wait3A_80, %dma_wait3A_81] : memref<4x200x64xi32, #tpu.memory_space<vmem>> -> memref<1x125x64xi32, #tpu.memory_space<vmem>>
    %dma_wait3A_83 = tpu.memref_squeeze %dma_wait3A_82 : memref<1x125x64xi32, #tpu.memory_space<vmem>> -> memref<125x64xi32, #tpu.memory_space<vmem>>
    tpu.wait_dma2 semaphore(%arg14 : memref<!tpu.dma_semaphore, #tpu.memory_space<semaphore_mem>>) src(%dma_wait3A_83 : memref<125x64xi32, #tpu.memory_space<vmem>>) dst(%dma_wait3A_79 : memref<125x64xi32, #tpu.memory_space<hbm>>)
    "tpu.region"() ({
      %run_scoped3A = tpu.sem_alloc : memref<!tpu.dma_semaphore, #tpu.memory_space<semaphore_mem>>
      %dma_start3A_222 = arith.constant 0 : i32
      %dma_start3A_223 = tpu.memref_slice %arg2[%mul3A_2, %dma_start3A_222] : memref<4096x200xi32, #tpu.memory_space<hbm>> -> memref<128x200xi32, #tpu.memory_space<hbm>>
      %dma_start3A_224 = arith.constant 0 : i32
      %dma_start3A_225 = tpu.memref_slice %arg2[%mul3A_2, %dma_start3A_224] : memref<4096x200xi32, #tpu.memory_space<hbm>> -> memref<128x200xi32, #tpu.memory_space<hbm>>
      tpu.enqueue_dma source(%dma_start3A_225 : memref<128x200xi32, #tpu.memory_space<hbm>>) target(%arg6 : memref<128x200xi32, #tpu.memory_space<vmem>>) target_semaphore(%run_scoped3A : memref<!tpu.dma_semaphore, #tpu.memory_space<semaphore_mem>>)
      %dma_wait3A_226 = arith.constant 0 : i32
      %dma_wait3A_227 = tpu.memref_slice %arg2[%mul3A_2, %dma_wait3A_226] : memref<4096x200xi32, #tpu.memory_space<hbm>> -> memref<128x200xi32, #tpu.memory_space<hbm>>
      %dma_wait3A_228 = arith.constant 0 : i32
      %dma_wait3A_229 = tpu.memref_slice %arg2[%mul3A_2, %dma_wait3A_228] : memref<4096x200xi32, #tpu.memory_space<hbm>> -> memref<128x200xi32, #tpu.memory_space<hbm>>
      tpu.wait_dma2 semaphore(%run_scoped3A : memref<!tpu.dma_semaphore, #tpu.memory_space<semaphore_mem>>) src(%dma_wait3A_229 : memref<128x200xi32, #tpu.memory_space<hbm>>) dst(%arg6 : memref<128x200xi32, #tpu.memory_space<vmem>>)
      tpu.yield
    }) : () -> ()
    %barrier3A = arith.constant 0 : index
    tpu.barrier barrier_id(%barrier3A)
    %dma_start3A_84 = arith.constant 0 : i32
    %dma_start3A_85 = arith.constant 0 : i32
    %dma_start3A_86 = arith.constant 0 : i32
    %dma_start3A_87 = arith.constant 0 : i32
    %dma_start3A_88 = tpu.memref_slice %arg7[%dma_start3A_85, %dma_start3A_86, %dma_start3A_87] : memref<4x200x64xi32, #tpu.memory_space<vmem>> -> memref<1x200x64xi32, #tpu.memory_space<vmem>>
    %dma_start3A_89 = tpu.memref_squeeze %dma_start3A_88 : memref<1x200x64xi32, #tpu.memory_space<vmem>> -> memref<200x64xi32, #tpu.memory_space<vmem>>
    %dma_start3A_90 = arith.constant 0 : i32
    %dma_start3A_91 = tpu.memref_slice %arg6[%dma_start3A_84, %dma_start3A_90] : memref<128x200xi32, #tpu.memory_space<vmem>> -> memref<1x200xi32, #tpu.memory_space<vmem>>
    %dma_start3A_92 = tpu.memref_squeeze %dma_start3A_91 : memref<1x200xi32, #tpu.memory_space<vmem>> -> memref<200xi32, #tpu.memory_space<vmem>>
    %dma_start3A_93 = arith.constant 0 : i32
    %dma_start3A_94 = arith.constant 0 : i32
    %dma_start3A_95 = tpu.memref_slice %arg5[%arg0, %dma_start3A_93, %dma_start3A_94] : memref<2x100000x64xi32, #tpu.memory_space<hbm>> -> memref<1x100000x64xi32, #tpu.memory_space<hbm>>
    %dma_start3A_96 = tpu.memref_squeeze %dma_start3A_95 : memref<1x100000x64xi32, #tpu.memory_space<hbm>> -> memref<100000x64xi32, #tpu.memory_space<hbm>>
    %dma_start3A_97 = arith.constant 0 : i32
    %dma_start3A_98 = arith.constant 0 : i32
    %dma_start3A_99 = tpu.memref_slice %dma_start3A_96[%dma_start3A_97, %dma_start3A_98] : memref<100000x64xi32, #tpu.memory_space<hbm>> -> memref<100000x64xi32, #tpu.memory_space<hbm>>
    tpu.enqueue_indirect_dma source(%dma_start3A_99 : memref<100000x64xi32, #tpu.memory_space<hbm>>) target(%dma_start3A_89 : memref<200x64xi32, #tpu.memory_space<vmem>>) offsets(%dma_start3A_92 : memref<200xi32, #tpu.memory_space<vmem>>) semaphore(%arg9 : memref<!tpu.dma_semaphore, #tpu.memory_space<semaphore_mem>>)
    %dma_start3A_100 = arith.constant 1 : i32
    %dma_start3A_101 = arith.constant 1 : i32
    %dma_start3A_102 = arith.constant 0 : i32
    %dma_start3A_103 = arith.constant 0 : i32
    %dma_start3A_104 = tpu.memref_slice %arg7[%dma_start3A_101, %dma_start3A_102, %dma_start3A_103] : memref<4x200x64xi32, #tpu.memory_space<vmem>> -> memref<1x200x64xi32, #tpu.memory_space<vmem>>
    %dma_start3A_105 = tpu.memref_squeeze %dma_start3A_104 : memref<1x200x64xi32, #tpu.memory_space<vmem>> -> memref<200x64xi32, #tpu.memory_space<vmem>>
    %dma_start3A_106 = arith.constant 0 : i32
    %dma_start3A_107 = tpu.memref_slice %arg6[%dma_start3A_100, %dma_start3A_106] : memref<128x200xi32, #tpu.memory_space<vmem>> -> memref<1x200xi32, #tpu.memory_space<vmem>>
    %dma_start3A_108 = tpu.memref_squeeze %dma_start3A_107 : memref<1x200xi32, #tpu.memory_space<vmem>> -> memref<200xi32, #tpu.memory_space<vmem>>
    %dma_start3A_109 = arith.constant 0 : i32
    %dma_start3A_110 = arith.constant 0 : i32
    %dma_start3A_111 = tpu.memref_slice %arg5[%arg0, %dma_start3A_109, %dma_start3A_110] : memref<2x100000x64xi32, #tpu.memory_space<hbm>> -> memref<1x100000x64xi32, #tpu.memory_space<hbm>>
    %dma_start3A_112 = tpu.memref_squeeze %dma_start3A_111 : memref<1x100000x64xi32, #tpu.memory_space<hbm>> -> memref<100000x64xi32, #tpu.memory_space<hbm>>
    %dma_start3A_113 = arith.constant 0 : i32
    %dma_start3A_114 = arith.constant 0 : i32
    %dma_start3A_115 = tpu.memref_slice %dma_start3A_112[%dma_start3A_113, %dma_start3A_114] : memref<100000x64xi32, #tpu.memory_space<hbm>> -> memref<100000x64xi32, #tpu.memory_space<hbm>>
    tpu.enqueue_indirect_dma source(%dma_start3A_115 : memref<100000x64xi32, #tpu.memory_space<hbm>>) target(%dma_start3A_105 : memref<200x64xi32, #tpu.memory_space<vmem>>) offsets(%dma_start3A_108 : memref<200xi32, #tpu.memory_space<vmem>>) semaphore(%arg10 : memref<!tpu.dma_semaphore, #tpu.memory_space<semaphore_mem>>)
    %dma_start3A_116 = arith.constant 2 : i32
    %dma_start3A_117 = arith.constant 2 : i32
    %dma_start3A_118 = arith.constant 0 : i32
    %dma_start3A_119 = arith.constant 0 : i32
    %dma_start3A_120 = tpu.memref_slice %arg7[%dma_start3A_117, %dma_start3A_118, %dma_start3A_119] : memref<4x200x64xi32, #tpu.memory_space<vmem>> -> memref<1x200x64xi32, #tpu.memory_space<vmem>>
    %dma_start3A_121 = tpu.memref_squeeze %dma_start3A_120 : memref<1x200x64xi32, #tpu.memory_space<vmem>> -> memref<200x64xi32, #tpu.memory_space<vmem>>
    %dma_start3A_122 = arith.constant 0 : i32
    %dma_start3A_123 = tpu.memref_slice %arg6[%dma_start3A_116, %dma_start3A_122] : memref<128x200xi32, #tpu.memory_space<vmem>> -> memref<1x200xi32, #tpu.memory_space<vmem>>
    %dma_start3A_124 = tpu.memref_squeeze %dma_start3A_123 : memref<1x200xi32, #tpu.memory_space<vmem>> -> memref<200xi32, #tpu.memory_space<vmem>>
    %dma_start3A_125 = arith.constant 0 : i32
    %dma_start3A_126 = arith.constant 0 : i32
    %dma_start3A_127 = tpu.memref_slice %arg5[%arg0, %dma_start3A_125, %dma_start3A_126] : memref<2x100000x64xi32, #tpu.memory_space<hbm>> -> memref<1x100000x64xi32, #tpu.memory_space<hbm>>
    %dma_start3A_128 = tpu.memref_squeeze %dma_start3A_127 : memref<1x100000x64xi32, #tpu.memory_space<hbm>> -> memref<100000x64xi32, #tpu.memory_space<hbm>>
    %dma_start3A_129 = arith.constant 0 : i32
    %dma_start3A_130 = arith.constant 0 : i32
    %dma_start3A_131 = tpu.memref_slice %dma_start3A_128[%dma_start3A_129, %dma_start3A_130] : memref<100000x64xi32, #tpu.memory_space<hbm>> -> memref<100000x64xi32, #tpu.memory_space<hbm>>
    tpu.enqueue_indirect_dma source(%dma_start3A_131 : memref<100000x64xi32, #tpu.memory_space<hbm>>) target(%dma_start3A_121 : memref<200x64xi32, #tpu.memory_space<vmem>>) offsets(%dma_start3A_124 : memref<200xi32, #tpu.memory_space<vmem>>) semaphore(%arg11 : memref<!tpu.dma_semaphore, #tpu.memory_space<semaphore_mem>>)
    %dma_start3A_132 = arith.constant 3 : i32
    %dma_start3A_133 = arith.constant 3 : i32
    %dma_start3A_134 = arith.constant 0 : i32
    %dma_start3A_135 = arith.constant 0 : i32
    %dma_start3A_136 = tpu.memref_slice %arg7[%dma_start3A_133, %dma_start3A_134, %dma_start3A_135] : memref<4x200x64xi32, #tpu.memory_space<vmem>> -> memref<1x200x64xi32, #tpu.memory_space<vmem>>
    %dma_start3A_137 = tpu.memref_squeeze %dma_start3A_136 : memref<1x200x64xi32, #tpu.memory_space<vmem>> -> memref<200x64xi32, #tpu.memory_space<vmem>>
    %dma_start3A_138 = arith.constant 0 : i32
    %dma_start3A_139 = tpu.memref_slice %arg6[%dma_start3A_132, %dma_start3A_138] : memref<128x200xi32, #tpu.memory_space<vmem>> -> memref<1x200xi32, #tpu.memory_space<vmem>>
    %dma_start3A_140 = tpu.memref_squeeze %dma_start3A_139 : memref<1x200xi32, #tpu.memory_space<vmem>> -> memref<200xi32, #tpu.memory_space<vmem>>
    %dma_start3A_141 = arith.constant 0 : i32
    %dma_start3A_142 = arith.constant 0 : i32
    %dma_start3A_143 = tpu.memref_slice %arg5[%arg0, %dma_start3A_141, %dma_start3A_142] : memref<2x100000x64xi32, #tpu.memory_space<hbm>> -> memref<1x100000x64xi32, #tpu.memory_space<hbm>>
    %dma_start3A_144 = tpu.memref_squeeze %dma_start3A_143 : memref<1x100000x64xi32, #tpu.memory_space<hbm>> -> memref<100000x64xi32, #tpu.memory_space<hbm>>
    %dma_start3A_145 = arith.constant 0 : i32
    %dma_start3A_146 = arith.constant 0 : i32
    %dma_start3A_147 = tpu.memref_slice %dma_start3A_144[%dma_start3A_145, %dma_start3A_146] : memref<100000x64xi32, #tpu.memory_space<hbm>> -> memref<100000x64xi32, #tpu.memory_space<hbm>>
    tpu.enqueue_indirect_dma source(%dma_start3A_147 : memref<100000x64xi32, #tpu.memory_space<hbm>>) target(%dma_start3A_137 : memref<200x64xi32, #tpu.memory_space<vmem>>) offsets(%dma_start3A_140 : memref<200xi32, #tpu.memory_space<vmem>>) semaphore(%arg12 : memref<!tpu.dma_semaphore, #tpu.memory_space<semaphore_mem>>)
    %scan3A_148 = arith.constant 0 : i32
    %scan3A_149 = arith.constant 0 : i32
    %scan3A_150 = arith.constant 32 : i32
    %scan3A_151 = arith.addi %scan3A_149, %scan3A_150 : i32
    %scan3A_152 = arith.constant 1 : i32
    scf.for %scan3A_222 = %scan3A_149 to %scan3A_151 step %scan3A_152  : i32 {
      %mul3A_223 = arith.constant 4 : i32
      %mul3A_224 = arith.muli %scan3A_222, %mul3A_223 : i32
      %add3A_225 = arith.constant 0 : i32
      %add3A_226 = arith.addi %mul3A_224, %add3A_225 : i32
      %dma_wait3A_227 = arith.constant 0 : i32
      %dma_wait3A_228 = arith.constant 0 : i32
      %dma_wait3A_229 = arith.constant 0 : i32
      %dma_wait3A_230 = arith.constant 0 : i32
      %dma_wait3A_231 = tpu.memref_slice %arg7[%dma_wait3A_228, %dma_wait3A_229, %dma_wait3A_230] : memref<4x200x64xi32, #tpu.memory_space<vmem>> -> memref<1x200x64xi32, #tpu.memory_space<vmem>>
      %dma_wait3A_232 = tpu.memref_squeeze %dma_wait3A_231 : memref<1x200x64xi32, #tpu.memory_space<vmem>> -> memref<200x64xi32, #tpu.memory_space<vmem>>
      %dma_wait3A_233 = arith.constant 0 : i32
      %dma_wait3A_234 = tpu.memref_slice %arg6[%dma_wait3A_227, %dma_wait3A_233] : memref<128x200xi32, #tpu.memory_space<vmem>> -> memref<1x200xi32, #tpu.memory_space<vmem>>
      %dma_wait3A_235 = tpu.memref_squeeze %dma_wait3A_234 : memref<1x200xi32, #tpu.memory_space<vmem>> -> memref<200xi32, #tpu.memory_space<vmem>>
      %dma_wait3A_236 = arith.constant 0 : i32
      %dma_wait3A_237 = arith.constant 0 : i32
      %dma_wait3A_238 = tpu.memref_slice %arg5[%arg0, %dma_wait3A_236, %dma_wait3A_237] : memref<2x100000x64xi32, #tpu.memory_space<hbm>> -> memref<1x100000x64xi32, #tpu.memory_space<hbm>>
      %dma_wait3A_239 = tpu.memref_squeeze %dma_wait3A_238 : memref<1x100000x64xi32, #tpu.memory_space<hbm>> -> memref<100000x64xi32, #tpu.memory_space<hbm>>
      %dma_wait3A_240 = arith.constant 0 : i32
      %dma_wait3A_241 = arith.constant 0 : i32
      %dma_wait3A_242 = tpu.memref_slice %dma_wait3A_239[%dma_wait3A_240, %dma_wait3A_241] : memref<100000x64xi32, #tpu.memory_space<hbm>> -> memref<100000x64xi32, #tpu.memory_space<hbm>>
      tpu.wait_indirect_dma semaphore(%arg9 : memref<!tpu.dma_semaphore, #tpu.memory_space<semaphore_mem>>) src(%dma_wait3A_242 : memref<100000x64xi32, #tpu.memory_space<hbm>>) dst(%dma_wait3A_232 : memref<200x64xi32, #tpu.memory_space<vmem>>)
      %gt3A = arith.constant 0 : i32
      %gt3A_243 = arith.cmpi sgt, %scan3A_222, %gt3A : i32
      %convert_element_type3A = arith.extui %gt3A_243 : i1 to i32
      %cond3A = arith.constant 0 : i32
      %cond3A_244 = arith.cmpi ne, %convert_element_type3A, %cond3A : i32
      scf.if %cond3A_244 {
        %dma_wait3A_443 = arith.constant 0 : i32
        %dma_wait3A_444 = arith.constant 0 : i32
        %dma_wait3A_445 = arith.constant 0 : i32
        %dma_wait3A_446 = tpu.memref_slice %arg8[%dma_wait3A_443, %dma_wait3A_444, %dma_wait3A_445] : memref<4x200x128xbf16, #tpu.memory_space<vmem>> -> memref<1x200x128xbf16, #tpu.memory_space<vmem>>
        %dma_wait3A_447 = tpu.memref_squeeze %dma_wait3A_446 : memref<1x200x128xbf16, #tpu.memory_space<vmem>> -> memref<200x128xbf16, #tpu.memory_space<vmem>>
        %dma_wait3A_448 = arith.constant 0 : i32
        %dma_wait3A_449 = arith.constant 0 : i32
        %dma_wait3A_450 = tpu.memref_slice %arg4[%mul3A_2, %dma_wait3A_448, %dma_wait3A_449] : memref<4096x200x128xbf16, #tpu.memory_space<hbm>> -> memref<1x200x128xbf16, #tpu.memory_space<hbm>>
        %dma_wait3A_451 = tpu.memref_squeeze %dma_wait3A_450 : memref<1x200x128xbf16, #tpu.memory_space<hbm>> -> memref<200x128xbf16, #tpu.memory_space<hbm>>
        %dma_wait3A_452 = arith.constant 0 : i32
        %dma_wait3A_453 = arith.constant 0 : i32
        %dma_wait3A_454 = tpu.memref_slice %arg4[%mul3A_2, %dma_wait3A_452, %dma_wait3A_453] : memref<4096x200x128xbf16, #tpu.memory_space<hbm>> -> memref<1x200x128xbf16, #tpu.memory_space<hbm>>
        %dma_wait3A_455 = tpu.memref_squeeze %dma_wait3A_454 : memref<1x200x128xbf16, #tpu.memory_space<hbm>> -> memref<200x128xbf16, #tpu.memory_space<hbm>>
        %dma_wait3A_456 = arith.constant 0 : i32
        %dma_wait3A_457 = arith.constant 0 : i32
        %dma_wait3A_458 = tpu.memref_slice %arg8[%dma_wait3A_443, %dma_wait3A_456, %dma_wait3A_457] : memref<4x200x128xbf16, #tpu.memory_space<vmem>> -> memref<1x200x128xbf16, #tpu.memory_space<vmem>>
        %dma_wait3A_459 = tpu.memref_squeeze %dma_wait3A_458 : memref<1x200x128xbf16, #tpu.memory_space<vmem>> -> memref<200x128xbf16, #tpu.memory_space<vmem>>
        tpu.wait_dma2 semaphore(%arg13 : memref<!tpu.dma_semaphore, #tpu.memory_space<semaphore_mem>>) src(%dma_wait3A_459 : memref<200x128xbf16, #tpu.memory_space<vmem>>) dst(%dma_wait3A_455 : memref<200x128xbf16, #tpu.memory_space<hbm>>)
      } else {
      }
      %scan3A_245 = arith.constant 0 : i32
      %scan3A_246 = arith.constant 0 : i32
      %scan3A_247 = arith.constant 0 : i32
      %scan3A_248 = arith.constant 0 : i32
      %scan3A_249 = arith.constant 200 : i32
      %scan3A_250 = arith.addi %scan3A_248, %scan3A_249 : i32
      %scan3A_251 = arith.constant 1 : i32
      scf.for %scan3A_443 = %scan3A_248 to %scan3A_250 step %scan3A_251  : i32 {
        %get3A = arith.constant 0 : i32
        %get3A_444 = arith.constant 0 : i32
        %get3A_445 = tpu.memref_slice %arg7[%scan3A_246, %get3A, %get3A_444] : memref<4x200x64xi32, #tpu.memory_space<vmem>> -> memref<1x200x64xi32, #tpu.memory_space<vmem>>
        %get3A_446 = tpu.memref_squeeze %get3A_445 : memref<1x200x64xi32, #tpu.memory_space<vmem>> -> memref<200x64xi32, #tpu.memory_space<vmem>>
        %get3A_447 = arith.index_cast %scan3A_443 : i32 to index
        %get3A_448 = arith.constant 0 : index
        %get3A_449 = tpu.vector_load %get3A_446[%get3A_447, %get3A_448] {strides = array<i32>} : memref<200x64xi32, #tpu.memory_space<vmem>>, vector<16xi32>,
        %bitcast3A = vector.bitcast %get3A_449 : vector<16xi32> to vector<32xbf16>
        %swap3A = arith.constant 0 : i32
        %swap3A_450 = arith.constant 0 : i32
        %swap3A_451 = tpu.memref_slice %arg8[%scan3A_247, %swap3A, %swap3A_450] : memref<4x200x128xbf16, #tpu.memory_space<vmem>> -> memref<1x200x128xbf16, #tpu.memory_space<vmem>>
        %swap3A_452 = tpu.memref_squeeze %swap3A_451 : memref<1x200x128xbf16, #tpu.memory_space<vmem>> -> memref<200x128xbf16, #tpu.memory_space<vmem>>
        %swap3A_453 = arith.index_cast %scan3A_443 : i32 to index
        %swap3A_454 = arith.constant 0 : index
        %swap3A_455 = tpu.vector_load %swap3A_452[%swap3A_453, %swap3A_454] {strides = array<i32>} : memref<200x128xbf16, #tpu.memory_space<vmem>>, vector<32xbf16>,
        tpu.vector_store %swap3A_452[%swap3A_453, %swap3A_454], %bitcast3A {strides = array<i32>} : memref<200x128xbf16, #tpu.memory_space<vmem>>, vector<32xbf16>,
        %get3A_456 = arith.constant 0 : i32
        %get3A_457 = arith.constant 0 : i32
        %get3A_458 = tpu.memref_slice %arg7[%scan3A_246, %get3A_456, %get3A_457] : memref<4x200x64xi32, #tpu.memory_space<vmem>> -> memref<1x200x64xi32, #tpu.memory_space<vmem>>
        %get3A_459 = tpu.memref_squeeze %get3A_458 : memref<1x200x64xi32, #tpu.memory_space<vmem>> -> memref<200x64xi32, #tpu.memory_space<vmem>>
        %get3A_460 = arith.index_cast %scan3A_443 : i32 to index
        %get3A_461 = arith.constant 16 : index
        %get3A_462 = tpu.vector_load %get3A_459[%get3A_460, %get3A_461] {strides = array<i32>} : memref<200x64xi32, #tpu.memory_space<vmem>>, vector<16xi32>,
        %bitcast3A_463 = vector.bitcast %get3A_462 : vector<16xi32> to vector<32xbf16>
        %swap3A_464 = arith.constant 0 : i32
        %swap3A_465 = arith.constant 0 : i32
        %swap3A_466 = tpu.memref_slice %arg8[%scan3A_247, %swap3A_464, %swap3A_465] : memref<4x200x128xbf16, #tpu.memory_space<vmem>> -> memref<1x200x128xbf16, #tpu.memory_space<vmem>>
        %swap3A_467 = tpu.memref_squeeze %swap3A_466 : memref<1x200x128xbf16, #tpu.memory_space<vmem>> -> memref<200x128xbf16, #tpu.memory_space<vmem>>
        %swap3A_468 = arith.index_cast %scan3A_443 : i32 to index
        %swap3A_469 = arith.constant 32 : index
        %swap3A_470 = tpu.vector_load %swap3A_467[%swap3A_468, %swap3A_469] {strides = array<i32>} : memref<200x128xbf16, #tpu.memory_space<vmem>>, vector<32xbf16>,
        tpu.vector_store %swap3A_467[%swap3A_468, %swap3A_469], %bitcast3A_463 {strides = array<i32>} : memref<200x128xbf16, #tpu.memory_space<vmem>>, vector<32xbf16>,
        %get3A_471 = arith.constant 0 : i32
        %get3A_472 = arith.constant 0 : i32
        %get3A_473 = tpu.memref_slice %arg7[%scan3A_246, %get3A_471, %get3A_472] : memref<4x200x64xi32, #tpu.memory_space<vmem>> -> memref<1x200x64xi32, #tpu.memory_space<vmem>>
        %get3A_474 = tpu.memref_squeeze %get3A_473 : memref<1x200x64xi32, #tpu.memory_space<vmem>> -> memref<200x64xi32, #tpu.memory_space<vmem>>
        %get3A_475 = arith.index_cast %scan3A_443 : i32 to index
        %get3A_476 = arith.constant 32 : index
        %get3A_477 = tpu.vector_load %get3A_474[%get3A_475, %get3A_476] {strides = array<i32>} : memref<200x64xi32, #tpu.memory_space<vmem>>, vector<16xi32>,
        %bitcast3A_478 = vector.bitcast %get3A_477 : vector<16xi32> to vector<32xbf16>
        %swap3A_479 = arith.constant 0 : i32
        %swap3A_480 = arith.constant 0 : i32
        %swap3A_481 = tpu.memref_slice %arg8[%scan3A_247, %swap3A_479, %swap3A_480] : memref<4x200x128xbf16, #tpu.memory_space<vmem>> -> memref<1x200x128xbf16, #tpu.memory_space<vmem>>
        %swap3A_482 = tpu.memref_squeeze %swap3A_481 : memref<1x200x128xbf16, #tpu.memory_space<vmem>> -> memref<200x128xbf16, #tpu.memory_space<vmem>>
        %swap3A_483 = arith.index_cast %scan3A_443 : i32 to index
        %swap3A_484 = arith.constant 64 : index
        %swap3A_485 = tpu.vector_load %swap3A_482[%swap3A_483, %swap3A_484] {strides = array<i32>} : memref<200x128xbf16, #tpu.memory_space<vmem>>, vector<32xbf16>,
        tpu.vector_store %swap3A_482[%swap3A_483, %swap3A_484], %bitcast3A_478 {strides = array<i32>} : memref<200x128xbf16, #tpu.memory_space<vmem>>, vector<32xbf16>,
        %get3A_486 = arith.constant 0 : i32
        %get3A_487 = arith.constant 0 : i32
        %get3A_488 = tpu.memref_slice %arg7[%scan3A_246, %get3A_486, %get3A_487] : memref<4x200x64xi32, #tpu.memory_space<vmem>> -> memref<1x200x64xi32, #tpu.memory_space<vmem>>
        %get3A_489 = tpu.memref_squeeze %get3A_488 : memref<1x200x64xi32, #tpu.memory_space<vmem>> -> memref<200x64xi32, #tpu.memory_space<vmem>>
        %get3A_490 = arith.index_cast %scan3A_443 : i32 to index
        %get3A_491 = arith.constant 48 : index
        %get3A_492 = tpu.vector_load %get3A_489[%get3A_490, %get3A_491] {strides = array<i32>} : memref<200x64xi32, #tpu.memory_space<vmem>>, vector<16xi32>,
        %bitcast3A_493 = vector.bitcast %get3A_492 : vector<16xi32> to vector<32xbf16>
        %swap3A_494 = arith.constant 0 : i32
        %swap3A_495 = arith.constant 0 : i32
        %swap3A_496 = tpu.memref_slice %arg8[%scan3A_247, %swap3A_494, %swap3A_495] : memref<4x200x128xbf16, #tpu.memory_space<vmem>> -> memref<1x200x128xbf16, #tpu.memory_space<vmem>>
        %swap3A_497 = tpu.memref_squeeze %swap3A_496 : memref<1x200x128xbf16, #tpu.memory_space<vmem>> -> memref<200x128xbf16, #tpu.memory_space<vmem>>
        %swap3A_498 = arith.index_cast %scan3A_443 : i32 to index
        %swap3A_499 = arith.constant 96 : index
        %swap3A_500 = tpu.vector_load %swap3A_497[%swap3A_498, %swap3A_499] {strides = array<i32>} : memref<200x128xbf16, #tpu.memory_space<vmem>>, vector<32xbf16>,
        tpu.vector_store %swap3A_497[%swap3A_498, %swap3A_499], %bitcast3A_493 {strides = array<i32>} : memref<200x128xbf16, #tpu.memory_space<vmem>>, vector<32xbf16>,
      }
      %scan3A_252 = arith.constant 200 : i32
      %lt3A = arith.constant 31 : i32
      %lt3A_253 = arith.cmpi slt, %scan3A_222, %lt3A : i32
      %convert_element_type3A_254 = arith.extui %lt3A_253 : i1 to i32
      %cond3A_255 = arith.constant 0 : i32
      %cond3A_256 = arith.cmpi ne, %convert_element_type3A_254, %cond3A_255 : i32
      scf.if %cond3A_256 {
        %add3A_443 = arith.constant 1 : i32
        %add3A_444 = arith.addi %scan3A_222, %add3A_443 : i32
        %mul3A_445 = arith.constant 4 : i32
        %mul3A_446 = arith.muli %add3A_444, %mul3A_445 : i32
        %add3A_447 = arith.constant 0 : i32
        %add3A_448 = arith.addi %mul3A_446, %add3A_447 : i32
        %dma_start3A_449 = arith.constant 0 : i32
        %dma_start3A_450 = arith.constant 0 : i32
        %dma_start3A_451 = arith.constant 0 : i32
        %dma_start3A_452 = tpu.memref_slice %arg7[%dma_start3A_449, %dma_start3A_450, %dma_start3A_451] : memref<4x200x64xi32, #tpu.memory_space<vmem>> -> memref<1x200x64xi32, #tpu.memory_space<vmem>>
        %dma_start3A_453 = tpu.memref_squeeze %dma_start3A_452 : memref<1x200x64xi32, #tpu.memory_space<vmem>> -> memref<200x64xi32, #tpu.memory_space<vmem>>
        %dma_start3A_454 = arith.constant 0 : i32
        %dma_start3A_455 = tpu.memref_slice %arg6[%add3A_448, %dma_start3A_454] : memref<128x200xi32, #tpu.memory_space<vmem>> -> memref<1x200xi32, #tpu.memory_space<vmem>>
        %dma_start3A_456 = tpu.memref_squeeze %dma_start3A_455 : memref<1x200xi32, #tpu.memory_space<vmem>> -> memref<200xi32, #tpu.memory_space<vmem>>
        %dma_start3A_457 = arith.constant 0 : i32
        %dma_start3A_458 = arith.constant 0 : i32
        %dma_start3A_459 = tpu.memref_slice %arg5[%arg0, %dma_start3A_457, %dma_start3A_458] : memref<2x100000x64xi32, #tpu.memory_space<hbm>> -> memref<1x100000x64xi32, #tpu.memory_space<hbm>>
        %dma_start3A_460 = tpu.memref_squeeze %dma_start3A_459 : memref<1x100000x64xi32, #tpu.memory_space<hbm>> -> memref<100000x64xi32, #tpu.memory_space<hbm>>
        %dma_start3A_461 = arith.constant 0 : i32
        %dma_start3A_462 = arith.constant 0 : i32
        %dma_start3A_463 = tpu.memref_slice %dma_start3A_460[%dma_start3A_461, %dma_start3A_462] : memref<100000x64xi32, #tpu.memory_space<hbm>> -> memref<100000x64xi32, #tpu.memory_space<hbm>>
        tpu.enqueue_indirect_dma source(%dma_start3A_463 : memref<100000x64xi32, #tpu.memory_space<hbm>>) target(%dma_start3A_453 : memref<200x64xi32, #tpu.memory_space<vmem>>) offsets(%dma_start3A_456 : memref<200xi32, #tpu.memory_space<vmem>>) semaphore(%arg9 : memref<!tpu.dma_semaphore, #tpu.memory_space<semaphore_mem>>)
      } else {
      }
      %add3A_257 = arith.addi %mul3A_2, %add3A_226 : i32
      %dma_start3A_258 = arith.constant 0 : i32
      %dma_start3A_259 = arith.constant 0 : i32
      %dma_start3A_260 = arith.constant 0 : i32
      %dma_start3A_261 = tpu.memref_slice %arg8[%dma_start3A_258, %dma_start3A_259, %dma_start3A_260] : memref<4x200x128xbf16, #tpu.memory_space<vmem>> -> memref<1x200x128xbf16, #tpu.memory_space<vmem>>
      %dma_start3A_262 = tpu.memref_squeeze %dma_start3A_261 : memref<1x200x128xbf16, #tpu.memory_space<vmem>> -> memref<200x128xbf16, #tpu.memory_space<vmem>>
      %dma_start3A_263 = arith.constant 0 : i32
      %dma_start3A_264 = arith.constant 0 : i32
      %dma_start3A_265 = tpu.memref_slice %arg4[%add3A_257, %dma_start3A_263, %dma_start3A_264] : memref<4096x200x128xbf16, #tpu.memory_space<hbm>> -> memref<1x200x128xbf16, #tpu.memory_space<hbm>>
      %dma_start3A_266 = tpu.memref_squeeze %dma_start3A_265 : memref<1x200x128xbf16, #tpu.memory_space<hbm>> -> memref<200x128xbf16, #tpu.memory_space<hbm>>
      %dma_start3A_267 = arith.constant 0 : i32
      %dma_start3A_268 = arith.constant 0 : i32
      %dma_start3A_269 = tpu.memref_slice %arg4[%add3A_257, %dma_start3A_267, %dma_start3A_268] : memref<4096x200x128xbf16, #tpu.memory_space<hbm>> -> memref<1x200x128xbf16, #tpu.memory_space<hbm>>
      %dma_start3A_270 = tpu.memref_squeeze %dma_start3A_269 : memref<1x200x128xbf16, #tpu.memory_space<hbm>> -> memref<200x128xbf16, #tpu.memory_space<hbm>>
      %dma_start3A_271 = arith.constant 0 : i32
      %dma_start3A_272 = arith.constant 0 : i32
      %dma_start3A_273 = tpu.memref_slice %arg8[%dma_start3A_258, %dma_start3A_271, %dma_start3A_272] : memref<4x200x128xbf16, #tpu.memory_space<vmem>> -> memref<1x200x128xbf16, #tpu.memory_space<vmem>>
      %dma_start3A_274 = tpu.memref_squeeze %dma_start3A_273 : memref<1x200x128xbf16, #tpu.memory_space<vmem>> -> memref<200x128xbf16, #tpu.memory_space<vmem>>
      tpu.enqueue_dma source(%dma_start3A_274 : memref<200x128xbf16, #tpu.memory_space<vmem>>) target(%dma_start3A_270 : memref<200x128xbf16, #tpu.memory_space<hbm>>) target_semaphore(%arg13 : memref<!tpu.dma_semaphore, #tpu.memory_space<semaphore_mem>>)
      %mul3A_275 = arith.constant 4 : i32
      %mul3A_276 = arith.muli %scan3A_222, %mul3A_275 : i32
      %add3A_277 = arith.constant 1 : i32
      %add3A_278 = arith.addi %mul3A_276, %add3A_277 : i32
      %dma_wait3A_279 = arith.constant 0 : i32
      %dma_wait3A_280 = arith.constant 1 : i32
      %dma_wait3A_281 = arith.constant 0 : i32
      %dma_wait3A_282 = arith.constant 0 : i32
      %dma_wait3A_283 = tpu.memref_slice %arg7[%dma_wait3A_280, %dma_wait3A_281, %dma_wait3A_282] : memref<4x200x64xi32, #tpu.memory_space<vmem>> -> memref<1x200x64xi32, #tpu.memory_space<vmem>>
      %dma_wait3A_284 = tpu.memref_squeeze %dma_wait3A_283 : memref<1x200x64xi32, #tpu.memory_space<vmem>> -> memref<200x64xi32, #tpu.memory_space<vmem>>
      %dma_wait3A_285 = arith.constant 0 : i32
      %dma_wait3A_286 = tpu.memref_slice %arg6[%dma_wait3A_279, %dma_wait3A_285] : memref<128x200xi32, #tpu.memory_space<vmem>> -> memref<1x200xi32, #tpu.memory_space<vmem>>
      %dma_wait3A_287 = tpu.memref_squeeze %dma_wait3A_286 : memref<1x200xi32, #tpu.memory_space<vmem>> -> memref<200xi32, #tpu.memory_space<vmem>>
      %dma_wait3A_288 = arith.constant 0 : i32
      %dma_wait3A_289 = arith.constant 0 : i32
      %dma_wait3A_290 = tpu.memref_slice %arg5[%arg0, %dma_wait3A_288, %dma_wait3A_289] : memref<2x100000x64xi32, #tpu.memory_space<hbm>> -> memref<1x100000x64xi32, #tpu.memory_space<hbm>>
      %dma_wait3A_291 = tpu.memref_squeeze %dma_wait3A_290 : memref<1x100000x64xi32, #tpu.memory_space<hbm>> -> memref<100000x64xi32, #tpu.memory_space<hbm>>
      %dma_wait3A_292 = arith.constant 0 : i32
      %dma_wait3A_293 = arith.constant 0 : i32
      %dma_wait3A_294 = tpu.memref_slice %dma_wait3A_291[%dma_wait3A_292, %dma_wait3A_293] : memref<100000x64xi32, #tpu.memory_space<hbm>> -> memref<100000x64xi32, #tpu.memory_space<hbm>>
      tpu.wait_indirect_dma semaphore(%arg10 : memref<!tpu.dma_semaphore, #tpu.memory_space<semaphore_mem>>) src(%dma_wait3A_294 : memref<100000x64xi32, #tpu.memory_space<hbm>>) dst(%dma_wait3A_284 : memref<200x64xi32, #tpu.memory_space<vmem>>)
      %gt3A_295 = arith.constant 0 : i32
      %gt3A_296 = arith.cmpi sgt, %scan3A_222, %gt3A_295 : i32
      %convert_element_type3A_297 = arith.extui %gt3A_296 : i1 to i32
      %cond3A_298 = arith.constant 0 : i32
      %cond3A_299 = arith.cmpi ne, %convert_element_type3A_297, %cond3A_298 : i32
      scf.if %cond3A_299 {
        %dma_wait3A_443 = arith.constant 1 : i32
        %dma_wait3A_444 = arith.constant 0 : i32
        %dma_wait3A_445 = arith.constant 0 : i32
        %dma_wait3A_446 = tpu.memref_slice %arg8[%dma_wait3A_443, %dma_wait3A_444, %dma_wait3A_445] : memref<4x200x128xbf16, #tpu.memory_space<vmem>> -> memref<1x200x128xbf16, #tpu.memory_space<vmem>>
        %dma_wait3A_447 = tpu.memref_squeeze %dma_wait3A_446 : memref<1x200x128xbf16, #tpu.memory_space<vmem>> -> memref<200x128xbf16, #tpu.memory_space<vmem>>
        %dma_wait3A_448 = arith.constant 0 : i32
        %dma_wait3A_449 = arith.constant 0 : i32
        %dma_wait3A_450 = tpu.memref_slice %arg4[%mul3A_2, %dma_wait3A_448, %dma_wait3A_449] : memref<4096x200x128xbf16, #tpu.memory_space<hbm>> -> memref<1x200x128xbf16, #tpu.memory_space<hbm>>
        %dma_wait3A_451 = tpu.memref_squeeze %dma_wait3A_450 : memref<1x200x128xbf16, #tpu.memory_space<hbm>> -> memref<200x128xbf16, #tpu.memory_space<hbm>>
        %dma_wait3A_452 = arith.constant 0 : i32
        %dma_wait3A_453 = arith.constant 0 : i32
        %dma_wait3A_454 = tpu.memref_slice %arg4[%mul3A_2, %dma_wait3A_452, %dma_wait3A_453] : memref<4096x200x128xbf16, #tpu.memory_space<hbm>> -> memref<1x200x128xbf16, #tpu.memory_space<hbm>>
        %dma_wait3A_455 = tpu.memref_squeeze %dma_wait3A_454 : memref<1x200x128xbf16, #tpu.memory_space<hbm>> -> memref<200x128xbf16, #tpu.memory_space<hbm>>
        %dma_wait3A_456 = arith.constant 0 : i32
        %dma_wait3A_457 = arith.constant 0 : i32
        %dma_wait3A_458 = tpu.memref_slice %arg8[%dma_wait3A_443, %dma_wait3A_456, %dma_wait3A_457] : memref<4x200x128xbf16, #tpu.memory_space<vmem>> -> memref<1x200x128xbf16, #tpu.memory_space<vmem>>
        %dma_wait3A_459 = tpu.memref_squeeze %dma_wait3A_458 : memref<1x200x128xbf16, #tpu.memory_space<vmem>> -> memref<200x128xbf16, #tpu.memory_space<vmem>>
        tpu.wait_dma2 semaphore(%arg14 : memref<!tpu.dma_semaphore, #tpu.memory_space<semaphore_mem>>) src(%dma_wait3A_459 : memref<200x128xbf16, #tpu.memory_space<vmem>>) dst(%dma_wait3A_455 : memref<200x128xbf16, #tpu.memory_space<hbm>>)
      } else {
      }
      %scan3A_300 = arith.constant 0 : i32
      %scan3A_301 = arith.constant 1 : i32
      %scan3A_302 = arith.constant 1 : i32
      %scan3A_303 = arith.constant 0 : i32
      %scan3A_304 = arith.constant 200 : i32
      %scan3A_305 = arith.addi %scan3A_303, %scan3A_304 : i32
      %scan3A_306 = arith.constant 1 : i32
      scf.for %scan3A_443 = %scan3A_303 to %scan3A_305 step %scan3A_306  : i32 {
        %get3A = arith.constant 0 : i32
        %get3A_444 = arith.constant 0 : i32
        %get3A_445 = tpu.memref_slice %arg7[%scan3A_301, %get3A, %get3A_444] : memref<4x200x64xi32, #tpu.memory_space<vmem>> -> memref<1x200x64xi32, #tpu.memory_space<vmem>>
        %get3A_446 = tpu.memref_squeeze %get3A_445 : memref<1x200x64xi32, #tpu.memory_space<vmem>> -> memref<200x64xi32, #tpu.memory_space<vmem>>
        %get3A_447 = arith.index_cast %scan3A_443 : i32 to index
        %get3A_448 = arith.constant 0 : index
        %get3A_449 = tpu.vector_load %get3A_446[%get3A_447, %get3A_448] {strides = array<i32>} : memref<200x64xi32, #tpu.memory_space<vmem>>, vector<16xi32>,
        %bitcast3A = vector.bitcast %get3A_449 : vector<16xi32> to vector<32xbf16>
        %swap3A = arith.constant 0 : i32
        %swap3A_450 = arith.constant 0 : i32
        %swap3A_451 = tpu.memref_slice %arg8[%scan3A_302, %swap3A, %swap3A_450] : memref<4x200x128xbf16, #tpu.memory_space<vmem>> -> memref<1x200x128xbf16, #tpu.memory_space<vmem>>
        %swap3A_452 = tpu.memref_squeeze %swap3A_451 : memref<1x200x128xbf16, #tpu.memory_space<vmem>> -> memref<200x128xbf16, #tpu.memory_space<vmem>>
        %swap3A_453 = arith.index_cast %scan3A_443 : i32 to index
        %swap3A_454 = arith.constant 0 : index
        %swap3A_455 = tpu.vector_load %swap3A_452[%swap3A_453, %swap3A_454] {strides = array<i32>} : memref<200x128xbf16, #tpu.memory_space<vmem>>, vector<32xbf16>,
        tpu.vector_store %swap3A_452[%swap3A_453, %swap3A_454], %bitcast3A {strides = array<i32>} : memref<200x128xbf16, #tpu.memory_space<vmem>>, vector<32xbf16>,
        %get3A_456 = arith.constant 0 : i32
        %get3A_457 = arith.constant 0 : i32
        %get3A_458 = tpu.memref_slice %arg7[%scan3A_301, %get3A_456, %get3A_457] : memref<4x200x64xi32, #tpu.memory_space<vmem>> -> memref<1x200x64xi32, #tpu.memory_space<vmem>>
        %get3A_459 = tpu.memref_squeeze %get3A_458 : memref<1x200x64xi32, #tpu.memory_space<vmem>> -> memref<200x64xi32, #tpu.memory_space<vmem>>
        %get3A_460 = arith.index_cast %scan3A_443 : i32 to index
        %get3A_461 = arith.constant 16 : index
        %get3A_462 = tpu.vector_load %get3A_459[%get3A_460, %get3A_461] {strides = array<i32>} : memref<200x64xi32, #tpu.memory_space<vmem>>, vector<16xi32>,
        %bitcast3A_463 = vector.bitcast %get3A_462 : vector<16xi32> to vector<32xbf16>
        %swap3A_464 = arith.constant 0 : i32
        %swap3A_465 = arith.constant 0 : i32
        %swap3A_466 = tpu.memref_slice %arg8[%scan3A_302, %swap3A_464, %swap3A_465] : memref<4x200x128xbf16, #tpu.memory_space<vmem>> -> memref<1x200x128xbf16, #tpu.memory_space<vmem>>
        %swap3A_467 = tpu.memref_squeeze %swap3A_466 : memref<1x200x128xbf16, #tpu.memory_space<vmem>> -> memref<200x128xbf16, #tpu.memory_space<vmem>>
        %swap3A_468 = arith.index_cast %scan3A_443 : i32 to index
        %swap3A_469 = arith.constant 32 : index
        %swap3A_470 = tpu.vector_load %swap3A_467[%swap3A_468, %swap3A_469] {strides = array<i32>} : memref<200x128xbf16, #tpu.memory_space<vmem>>, vector<32xbf16>,
        tpu.vector_store %swap3A_467[%swap3A_468, %swap3A_469], %bitcast3A_463 {strides = array<i32>} : memref<200x128xbf16, #tpu.memory_space<vmem>>, vector<32xbf16>,
        %get3A_471 = arith.constant 0 : i32
        %get3A_472 = arith.constant 0 : i32
        %get3A_473 = tpu.memref_slice %arg7[%scan3A_301, %get3A_471, %get3A_472] : memref<4x200x64xi32, #tpu.memory_space<vmem>> -> memref<1x200x64xi32, #tpu.memory_space<vmem>>
        %get3A_474 = tpu.memref_squeeze %get3A_473 : memref<1x200x64xi32, #tpu.memory_space<vmem>> -> memref<200x64xi32, #tpu.memory_space<vmem>>
        %get3A_475 = arith.index_cast %scan3A_443 : i32 to index
        %get3A_476 = arith.constant 32 : index
        %get3A_477 = tpu.vector_load %get3A_474[%get3A_475, %get3A_476] {strides = array<i32>} : memref<200x64xi32, #tpu.memory_space<vmem>>, vector<16xi32>,
        %bitcast3A_478 = vector.bitcast %get3A_477 : vector<16xi32> to vector<32xbf16>
        %swap3A_479 = arith.constant 0 : i32
        %swap3A_480 = arith.constant 0 : i32
        %swap3A_481 = tpu.memref_slice %arg8[%scan3A_302, %swap3A_479, %swap3A_480] : memref<4x200x128xbf16, #tpu.memory_space<vmem>> -> memref<1x200x128xbf16, #tpu.memory_space<vmem>>
        %swap3A_482 = tpu.memref_squeeze %swap3A_481 : memref<1x200x128xbf16, #tpu.memory_space<vmem>> -> memref<200x128xbf16, #tpu.memory_space<vmem>>
        %swap3A_483 = arith.index_cast %scan3A_443 : i32 to index
        %swap3A_484 = arith.constant 64 : index
        %swap3A_485 = tpu.vector_load %swap3A_482[%swap3A_483, %swap3A_484] {strides = array<i32>} : memref<200x128xbf16, #tpu.memory_space<vmem>>, vector<32xbf16>,
        tpu.vector_store %swap3A_482[%swap3A_483, %swap3A_484], %bitcast3A_478 {strides = array<i32>} : memref<200x128xbf16, #tpu.memory_space<vmem>>, vector<32xbf16>,
        %get3A_486 = arith.constant 0 : i32
        %get3A_487 = arith.constant 0 : i32
        %get3A_488 = tpu.memref_slice %arg7[%scan3A_301, %get3A_486, %get3A_487] : memref<4x200x64xi32, #tpu.memory_space<vmem>> -> memref<1x200x64xi32, #tpu.memory_space<vmem>>
        %get3A_489 = tpu.memref_squeeze %get3A_488 : memref<1x200x64xi32, #tpu.memory_space<vmem>> -> memref<200x64xi32, #tpu.memory_space<vmem>>
        %get3A_490 = arith.index_cast %scan3A_443 : i32 to index
        %get3A_491 = arith.constant 48 : index
        %get3A_492 = tpu.vector_load %get3A_489[%get3A_490, %get3A_491] {strides = array<i32>} : memref<200x64xi32, #tpu.memory_space<vmem>>, vector<16xi32>,
        %bitcast3A_493 = vector.bitcast %get3A_492 : vector<16xi32> to vector<32xbf16>
        %swap3A_494 = arith.constant 0 : i32
        %swap3A_495 = arith.constant 0 : i32
        %swap3A_496 = tpu.memref_slice %arg8[%scan3A_302, %swap3A_494, %swap3A_495] : memref<4x200x128xbf16, #tpu.memory_space<vmem>> -> memref<1x200x128xbf16, #tpu.memory_space<vmem>>
        %swap3A_497 = tpu.memref_squeeze %swap3A_496 : memref<1x200x128xbf16, #tpu.memory_space<vmem>> -> memref<200x128xbf16, #tpu.memory_space<vmem>>
        %swap3A_498 = arith.index_cast %scan3A_443 : i32 to index
        %swap3A_499 = arith.constant 96 : index
        %swap3A_500 = tpu.vector_load %swap3A_497[%swap3A_498, %swap3A_499] {strides = array<i32>} : memref<200x128xbf16, #tpu.memory_space<vmem>>, vector<32xbf16>,
        tpu.vector_store %swap3A_497[%swap3A_498, %swap3A_499], %bitcast3A_493 {strides = array<i32>} : memref<200x128xbf16, #tpu.memory_space<vmem>>, vector<32xbf16>,
      }
      %scan3A_307 = arith.constant 200 : i32
      %lt3A_308 = arith.constant 31 : i32
      %lt3A_309 = arith.cmpi slt, %scan3A_222, %lt3A_308 : i32
      %convert_element_type3A_310 = arith.extui %lt3A_309 : i1 to i32
      %cond3A_311 = arith.constant 0 : i32
      %cond3A_312 = arith.cmpi ne, %convert_element_type3A_310, %cond3A_311 : i32
      scf.if %cond3A_312 {
        %add3A_443 = arith.constant 1 : i32
        %add3A_444 = arith.addi %scan3A_222, %add3A_443 : i32
        %mul3A_445 = arith.constant 4 : i32
        %mul3A_446 = arith.muli %add3A_444, %mul3A_445 : i32
        %add3A_447 = arith.constant 1 : i32
        %add3A_448 = arith.addi %mul3A_446, %add3A_447 : i32
        %dma_start3A_449 = arith.constant 1 : i32
        %dma_start3A_450 = arith.constant 0 : i32
        %dma_start3A_451 = arith.constant 0 : i32
        %dma_start3A_452 = tpu.memref_slice %arg7[%dma_start3A_449, %dma_start3A_450, %dma_start3A_451] : memref<4x200x64xi32, #tpu.memory_space<vmem>> -> memref<1x200x64xi32, #tpu.memory_space<vmem>>
        %dma_start3A_453 = tpu.memref_squeeze %dma_start3A_452 : memref<1x200x64xi32, #tpu.memory_space<vmem>> -> memref<200x64xi32, #tpu.memory_space<vmem>>
        %dma_start3A_454 = arith.constant 0 : i32
        %dma_start3A_455 = tpu.memref_slice %arg6[%add3A_448, %dma_start3A_454] : memref<128x200xi32, #tpu.memory_space<vmem>> -> memref<1x200xi32, #tpu.memory_space<vmem>>
        %dma_start3A_456 = tpu.memref_squeeze %dma_start3A_455 : memref<1x200xi32, #tpu.memory_space<vmem>> -> memref<200xi32, #tpu.memory_space<vmem>>
        %dma_start3A_457 = arith.constant 0 : i32
        %dma_start3A_458 = arith.constant 0 : i32
        %dma_start3A_459 = tpu.memref_slice %arg5[%arg0, %dma_start3A_457, %dma_start3A_458] : memref<2x100000x64xi32, #tpu.memory_space<hbm>> -> memref<1x100000x64xi32, #tpu.memory_space<hbm>>
        %dma_start3A_460 = tpu.memref_squeeze %dma_start3A_459 : memref<1x100000x64xi32, #tpu.memory_space<hbm>> -> memref<100000x64xi32, #tpu.memory_space<hbm>>
        %dma_start3A_461 = arith.constant 0 : i32
        %dma_start3A_462 = arith.constant 0 : i32
        %dma_start3A_463 = tpu.memref_slice %dma_start3A_460[%dma_start3A_461, %dma_start3A_462] : memref<100000x64xi32, #tpu.memory_space<hbm>> -> memref<100000x64xi32, #tpu.memory_space<hbm>>
        tpu.enqueue_indirect_dma source(%dma_start3A_463 : memref<100000x64xi32, #tpu.memory_space<hbm>>) target(%dma_start3A_453 : memref<200x64xi32, #tpu.memory_space<vmem>>) offsets(%dma_start3A_456 : memref<200xi32, #tpu.memory_space<vmem>>) semaphore(%arg10 : memref<!tpu.dma_semaphore, #tpu.memory_space<semaphore_mem>>)
      } else {
      }
      %add3A_313 = arith.addi %mul3A_2, %add3A_278 : i32
      %dma_start3A_314 = arith.constant 1 : i32
      %dma_start3A_315 = arith.constant 0 : i32
      %dma_start3A_316 = arith.constant 0 : i32
      %dma_start3A_317 = tpu.memref_slice %arg8[%dma_start3A_314, %dma_start3A_315, %dma_start3A_316] : memref<4x200x128xbf16, #tpu.memory_space<vmem>> -> memref<1x200x128xbf16, #tpu.memory_space<vmem>>
      %dma_start3A_318 = tpu.memref_squeeze %dma_start3A_317 : memref<1x200x128xbf16, #tpu.memory_space<vmem>> -> memref<200x128xbf16, #tpu.memory_space<vmem>>
      %dma_start3A_319 = arith.constant 0 : i32
      %dma_start3A_320 = arith.constant 0 : i32
      %dma_start3A_321 = tpu.memref_slice %arg4[%add3A_313, %dma_start3A_319, %dma_start3A_320] : memref<4096x200x128xbf16, #tpu.memory_space<hbm>> -> memref<1x200x128xbf16, #tpu.memory_space<hbm>>
      %dma_start3A_322 = tpu.memref_squeeze %dma_start3A_321 : memref<1x200x128xbf16, #tpu.memory_space<hbm>> -> memref<200x128xbf16, #tpu.memory_space<hbm>>
      %dma_start3A_323 = arith.constant 0 : i32
      %dma_start3A_324 = arith.constant 0 : i32
      %dma_start3A_325 = tpu.memref_slice %arg4[%add3A_313, %dma_start3A_323, %dma_start3A_324] : memref<4096x200x128xbf16, #tpu.memory_space<hbm>> -> memref<1x200x128xbf16, #tpu.memory_space<hbm>>
      %dma_start3A_326 = tpu.memref_squeeze %dma_start3A_325 : memref<1x200x128xbf16, #tpu.memory_space<hbm>> -> memref<200x128xbf16, #tpu.memory_space<hbm>>
      %dma_start3A_327 = arith.constant 0 : i32
      %dma_start3A_328 = arith.constant 0 : i32
      %dma_start3A_329 = tpu.memref_slice %arg8[%dma_start3A_314, %dma_start3A_327, %dma_start3A_328] : memref<4x200x128xbf16, #tpu.memory_space<vmem>> -> memref<1x200x128xbf16, #tpu.memory_space<vmem>>
      %dma_start3A_330 = tpu.memref_squeeze %dma_start3A_329 : memref<1x200x128xbf16, #tpu.memory_space<vmem>> -> memref<200x128xbf16, #tpu.memory_space<vmem>>
      tpu.enqueue_dma source(%dma_start3A_330 : memref<200x128xbf16, #tpu.memory_space<vmem>>) target(%dma_start3A_326 : memref<200x128xbf16, #tpu.memory_space<hbm>>) target_semaphore(%arg14 : memref<!tpu.dma_semaphore, #tpu.memory_space<semaphore_mem>>)
      %mul3A_331 = arith.constant 4 : i32
      %mul3A_332 = arith.muli %scan3A_222, %mul3A_331 : i32
      %add3A_333 = arith.constant 2 : i32
      %add3A_334 = arith.addi %mul3A_332, %add3A_333 : i32
      %dma_wait3A_335 = arith.constant 0 : i32
      %dma_wait3A_336 = arith.constant 2 : i32
      %dma_wait3A_337 = arith.constant 0 : i32
      %dma_wait3A_338 = arith.constant 0 : i32
      %dma_wait3A_339 = tpu.memref_slice %arg7[%dma_wait3A_336, %dma_wait3A_337, %dma_wait3A_338] : memref<4x200x64xi32, #tpu.memory_space<vmem>> -> memref<1x200x64xi32, #tpu.memory_space<vmem>>
      %dma_wait3A_340 = tpu.memref_squeeze %dma_wait3A_339 : memref<1x200x64xi32, #tpu.memory_space<vmem>> -> memref<200x64xi32, #tpu.memory_space<vmem>>
      %dma_wait3A_341 = arith.constant 0 : i32
      %dma_wait3A_342 = tpu.memref_slice %arg6[%dma_wait3A_335, %dma_wait3A_341] : memref<128x200xi32, #tpu.memory_space<vmem>> -> memref<1x200xi32, #tpu.memory_space<vmem>>
      %dma_wait3A_343 = tpu.memref_squeeze %dma_wait3A_342 : memref<1x200xi32, #tpu.memory_space<vmem>> -> memref<200xi32, #tpu.memory_space<vmem>>
      %dma_wait3A_344 = arith.constant 0 : i32
      %dma_wait3A_345 = arith.constant 0 : i32
      %dma_wait3A_346 = tpu.memref_slice %arg5[%arg0, %dma_wait3A_344, %dma_wait3A_345] : memref<2x100000x64xi32, #tpu.memory_space<hbm>> -> memref<1x100000x64xi32, #tpu.memory_space<hbm>>
      %dma_wait3A_347 = tpu.memref_squeeze %dma_wait3A_346 : memref<1x100000x64xi32, #tpu.memory_space<hbm>> -> memref<100000x64xi32, #tpu.memory_space<hbm>>
      %dma_wait3A_348 = arith.constant 0 : i32
      %dma_wait3A_349 = arith.constant 0 : i32
      %dma_wait3A_350 = tpu.memref_slice %dma_wait3A_347[%dma_wait3A_348, %dma_wait3A_349] : memref<100000x64xi32, #tpu.memory_space<hbm>> -> memref<100000x64xi32, #tpu.memory_space<hbm>>
      tpu.wait_indirect_dma semaphore(%arg11 : memref<!tpu.dma_semaphore, #tpu.memory_space<semaphore_mem>>) src(%dma_wait3A_350 : memref<100000x64xi32, #tpu.memory_space<hbm>>) dst(%dma_wait3A_340 : memref<200x64xi32, #tpu.memory_space<vmem>>)
      %gt3A_351 = arith.constant 0 : i32
      %gt3A_352 = arith.cmpi sgt, %scan3A_222, %gt3A_351 : i32
      %convert_element_type3A_353 = arith.extui %gt3A_352 : i1 to i32
      %cond3A_354 = arith.constant 0 : i32
      %cond3A_355 = arith.cmpi ne, %convert_element_type3A_353, %cond3A_354 : i32
      scf.if %cond3A_355 {
        %dma_wait3A_443 = arith.constant 2 : i32
        %dma_wait3A_444 = arith.constant 0 : i32
        %dma_wait3A_445 = arith.constant 0 : i32
        %dma_wait3A_446 = tpu.memref_slice %arg8[%dma_wait3A_443, %dma_wait3A_444, %dma_wait3A_445] : memref<4x200x128xbf16, #tpu.memory_space<vmem>> -> memref<1x200x128xbf16, #tpu.memory_space<vmem>>
        %dma_wait3A_447 = tpu.memref_squeeze %dma_wait3A_446 : memref<1x200x128xbf16, #tpu.memory_space<vmem>> -> memref<200x128xbf16, #tpu.memory_space<vmem>>
        %dma_wait3A_448 = arith.constant 0 : i32
        %dma_wait3A_449 = arith.constant 0 : i32
        %dma_wait3A_450 = tpu.memref_slice %arg4[%mul3A_2, %dma_wait3A_448, %dma_wait3A_449] : memref<4096x200x128xbf16, #tpu.memory_space<hbm>> -> memref<1x200x128xbf16, #tpu.memory_space<hbm>>
        %dma_wait3A_451 = tpu.memref_squeeze %dma_wait3A_450 : memref<1x200x128xbf16, #tpu.memory_space<hbm>> -> memref<200x128xbf16, #tpu.memory_space<hbm>>
        %dma_wait3A_452 = arith.constant 0 : i32
        %dma_wait3A_453 = arith.constant 0 : i32
        %dma_wait3A_454 = tpu.memref_slice %arg4[%mul3A_2, %dma_wait3A_452, %dma_wait3A_453] : memref<4096x200x128xbf16, #tpu.memory_space<hbm>> -> memref<1x200x128xbf16, #tpu.memory_space<hbm>>
        %dma_wait3A_455 = tpu.memref_squeeze %dma_wait3A_454 : memref<1x200x128xbf16, #tpu.memory_space<hbm>> -> memref<200x128xbf16, #tpu.memory_space<hbm>>
        %dma_wait3A_456 = arith.constant 0 : i32
        %dma_wait3A_457 = arith.constant 0 : i32
        %dma_wait3A_458 = tpu.memref_slice %arg8[%dma_wait3A_443, %dma_wait3A_456, %dma_wait3A_457] : memref<4x200x128xbf16, #tpu.memory_space<vmem>> -> memref<1x200x128xbf16, #tpu.memory_space<vmem>>
        %dma_wait3A_459 = tpu.memref_squeeze %dma_wait3A_458 : memref<1x200x128xbf16, #tpu.memory_space<vmem>> -> memref<200x128xbf16, #tpu.memory_space<vmem>>
        tpu.wait_dma2 semaphore(%arg15 : memref<!tpu.dma_semaphore, #tpu.memory_space<semaphore_mem>>) src(%dma_wait3A_459 : memref<200x128xbf16, #tpu.memory_space<vmem>>) dst(%dma_wait3A_455 : memref<200x128xbf16, #tpu.memory_space<hbm>>)
      } else {
      }
      %scan3A_356 = arith.constant 0 : i32
      %scan3A_357 = arith.constant 2 : i32
      %scan3A_358 = arith.constant 2 : i32
      %scan3A_359 = arith.constant 0 : i32
      %scan3A_360 = arith.constant 200 : i32
      %scan3A_361 = arith.addi %scan3A_359, %scan3A_360 : i32
      %scan3A_362 = arith.constant 1 : i32
      scf.for %scan3A_443 = %scan3A_359 to %scan3A_361 step %scan3A_362  : i32 {
        %get3A = arith.constant 0 : i32
        %get3A_444 = arith.constant 0 : i32
        %get3A_445 = tpu.memref_slice %arg7[%scan3A_357, %get3A, %get3A_444] : memref<4x200x64xi32, #tpu.memory_space<vmem>> -> memref<1x200x64xi32, #tpu.memory_space<vmem>>
        %get3A_446 = tpu.memref_squeeze %get3A_445 : memref<1x200x64xi32, #tpu.memory_space<vmem>> -> memref<200x64xi32, #tpu.memory_space<vmem>>
        %get3A_447 = arith.index_cast %scan3A_443 : i32 to index
        %get3A_448 = arith.constant 0 : index
        %get3A_449 = tpu.vector_load %get3A_446[%get3A_447, %get3A_448] {strides = array<i32>} : memref<200x64xi32, #tpu.memory_space<vmem>>, vector<16xi32>,
        %bitcast3A = vector.bitcast %get3A_449 : vector<16xi32> to vector<32xbf16>
        %swap3A = arith.constant 0 : i32
        %swap3A_450 = arith.constant 0 : i32
        %swap3A_451 = tpu.memref_slice %arg8[%scan3A_358, %swap3A, %swap3A_450] : memref<4x200x128xbf16, #tpu.memory_space<vmem>> -> memref<1x200x128xbf16, #tpu.memory_space<vmem>>
        %swap3A_452 = tpu.memref_squeeze %swap3A_451 : memref<1x200x128xbf16, #tpu.memory_space<vmem>> -> memref<200x128xbf16, #tpu.memory_space<vmem>>
        %swap3A_453 = arith.index_cast %scan3A_443 : i32 to index
        %swap3A_454 = arith.constant 0 : index
        %swap3A_455 = tpu.vector_load %swap3A_452[%swap3A_453, %swap3A_454] {strides = array<i32>} : memref<200x128xbf16, #tpu.memory_space<vmem>>, vector<32xbf16>,
        tpu.vector_store %swap3A_452[%swap3A_453, %swap3A_454], %bitcast3A {strides = array<i32>} : memref<200x128xbf16, #tpu.memory_space<vmem>>, vector<32xbf16>,
        %get3A_456 = arith.constant 0 : i32
        %get3A_457 = arith.constant 0 : i32
        %get3A_458 = tpu.memref_slice %arg7[%scan3A_357, %get3A_456, %get3A_457] : memref<4x200x64xi32, #tpu.memory_space<vmem>> -> memref<1x200x64xi32, #tpu.memory_space<vmem>>
        %get3A_459 = tpu.memref_squeeze %get3A_458 : memref<1x200x64xi32, #tpu.memory_space<vmem>> -> memref<200x64xi32, #tpu.memory_space<vmem>>
        %get3A_460 = arith.index_cast %scan3A_443 : i32 to index
        %get3A_461 = arith.constant 16 : index
        %get3A_462 = tpu.vector_load %get3A_459[%get3A_460, %get3A_461] {strides = array<i32>} : memref<200x64xi32, #tpu.memory_space<vmem>>, vector<16xi32>,
        %bitcast3A_463 = vector.bitcast %get3A_462 : vector<16xi32> to vector<32xbf16>
        %swap3A_464 = arith.constant 0 : i32
        %swap3A_465 = arith.constant 0 : i32
        %swap3A_466 = tpu.memref_slice %arg8[%scan3A_358, %swap3A_464, %swap3A_465] : memref<4x200x128xbf16, #tpu.memory_space<vmem>> -> memref<1x200x128xbf16, #tpu.memory_space<vmem>>
        %swap3A_467 = tpu.memref_squeeze %swap3A_466 : memref<1x200x128xbf16, #tpu.memory_space<vmem>> -> memref<200x128xbf16, #tpu.memory_space<vmem>>
        %swap3A_468 = arith.index_cast %scan3A_443 : i32 to index
        %swap3A_469 = arith.constant 32 : index
        %swap3A_470 = tpu.vector_load %swap3A_467[%swap3A_468, %swap3A_469] {strides = array<i32>} : memref<200x128xbf16, #tpu.memory_space<vmem>>, vector<32xbf16>,
        tpu.vector_store %swap3A_467[%swap3A_468, %swap3A_469], %bitcast3A_463 {strides = array<i32>} : memref<200x128xbf16, #tpu.memory_space<vmem>>, vector<32xbf16>,
        %get3A_471 = arith.constant 0 : i32
        %get3A_472 = arith.constant 0 : i32
        %get3A_473 = tpu.memref_slice %arg7[%scan3A_357, %get3A_471, %get3A_472] : memref<4x200x64xi32, #tpu.memory_space<vmem>> -> memref<1x200x64xi32, #tpu.memory_space<vmem>>
        %get3A_474 = tpu.memref_squeeze %get3A_473 : memref<1x200x64xi32, #tpu.memory_space<vmem>> -> memref<200x64xi32, #tpu.memory_space<vmem>>
        %get3A_475 = arith.index_cast %scan3A_443 : i32 to index
        %get3A_476 = arith.constant 32 : index
        %get3A_477 = tpu.vector_load %get3A_474[%get3A_475, %get3A_476] {strides = array<i32>} : memref<200x64xi32, #tpu.memory_space<vmem>>, vector<16xi32>,
        %bitcast3A_478 = vector.bitcast %get3A_477 : vector<16xi32> to vector<32xbf16>
        %swap3A_479 = arith.constant 0 : i32
        %swap3A_480 = arith.constant 0 : i32
        %swap3A_481 = tpu.memref_slice %arg8[%scan3A_358, %swap3A_479, %swap3A_480] : memref<4x200x128xbf16, #tpu.memory_space<vmem>> -> memref<1x200x128xbf16, #tpu.memory_space<vmem>>
        %swap3A_482 = tpu.memref_squeeze %swap3A_481 : memref<1x200x128xbf16, #tpu.memory_space<vmem>> -> memref<200x128xbf16, #tpu.memory_space<vmem>>
        %swap3A_483 = arith.index_cast %scan3A_443 : i32 to index
        %swap3A_484 = arith.constant 64 : index
        %swap3A_485 = tpu.vector_load %swap3A_482[%swap3A_483, %swap3A_484] {strides = array<i32>} : memref<200x128xbf16, #tpu.memory_space<vmem>>, vector<32xbf16>,
        tpu.vector_store %swap3A_482[%swap3A_483, %swap3A_484], %bitcast3A_478 {strides = array<i32>} : memref<200x128xbf16, #tpu.memory_space<vmem>>, vector<32xbf16>,
        %get3A_486 = arith.constant 0 : i32
        %get3A_487 = arith.constant 0 : i32
        %get3A_488 = tpu.memref_slice %arg7[%scan3A_357, %get3A_486, %get3A_487] : memref<4x200x64xi32, #tpu.memory_space<vmem>> -> memref<1x200x64xi32, #tpu.memory_space<vmem>>
        %get3A_489 = tpu.memref_squeeze %get3A_488 : memref<1x200x64xi32, #tpu.memory_space<vmem>> -> memref<200x64xi32, #tpu.memory_space<vmem>>
        %get3A_490 = arith.index_cast %scan3A_443 : i32 to index
        %get3A_491 = arith.constant 48 : index
        %get3A_492 = tpu.vector_load %get3A_489[%get3A_490, %get3A_491] {strides = array<i32>} : memref<200x64xi32, #tpu.memory_space<vmem>>, vector<16xi32>,
        %bitcast3A_493 = vector.bitcast %get3A_492 : vector<16xi32> to vector<32xbf16>
        %swap3A_494 = arith.constant 0 : i32
        %swap3A_495 = arith.constant 0 : i32
        %swap3A_496 = tpu.memref_slice %arg8[%scan3A_358, %swap3A_494, %swap3A_495] : memref<4x200x128xbf16, #tpu.memory_space<vmem>> -> memref<1x200x128xbf16, #tpu.memory_space<vmem>>
        %swap3A_497 = tpu.memref_squeeze %swap3A_496 : memref<1x200x128xbf16, #tpu.memory_space<vmem>> -> memref<200x128xbf16, #tpu.memory_space<vmem>>
        %swap3A_498 = arith.index_cast %scan3A_443 : i32 to index
        %swap3A_499 = arith.constant 96 : index
        %swap3A_500 = tpu.vector_load %swap3A_497[%swap3A_498, %swap3A_499] {strides = array<i32>} : memref<200x128xbf16, #tpu.memory_space<vmem>>, vector<32xbf16>,
        tpu.vector_store %swap3A_497[%swap3A_498, %swap3A_499], %bitcast3A_493 {strides = array<i32>} : memref<200x128xbf16, #tpu.memory_space<vmem>>, vector<32xbf16>,
      }
      %scan3A_363 = arith.constant 200 : i32
      %lt3A_364 = arith.constant 31 : i32
      %lt3A_365 = arith.cmpi slt, %scan3A_222, %lt3A_364 : i32
      %convert_element_type3A_366 = arith.extui %lt3A_365 : i1 to i32
      %cond3A_367 = arith.constant 0 : i32
      %cond3A_368 = arith.cmpi ne, %convert_element_type3A_366, %cond3A_367 : i32
      scf.if %cond3A_368 {
        %add3A_443 = arith.constant 1 : i32
        %add3A_444 = arith.addi %scan3A_222, %add3A_443 : i32
        %mul3A_445 = arith.constant 4 : i32
        %mul3A_446 = arith.muli %add3A_444, %mul3A_445 : i32
        %add3A_447 = arith.constant 2 : i32
        %add3A_448 = arith.addi %mul3A_446, %add3A_447 : i32
        %dma_start3A_449 = arith.constant 2 : i32
        %dma_start3A_450 = arith.constant 0 : i32
        %dma_start3A_451 = arith.constant 0 : i32
        %dma_start3A_452 = tpu.memref_slice %arg7[%dma_start3A_449, %dma_start3A_450, %dma_start3A_451] : memref<4x200x64xi32, #tpu.memory_space<vmem>> -> memref<1x200x64xi32, #tpu.memory_space<vmem>>
        %dma_start3A_453 = tpu.memref_squeeze %dma_start3A_452 : memref<1x200x64xi32, #tpu.memory_space<vmem>> -> memref<200x64xi32, #tpu.memory_space<vmem>>
        %dma_start3A_454 = arith.constant 0 : i32
        %dma_start3A_455 = tpu.memref_slice %arg6[%add3A_448, %dma_start3A_454] : memref<128x200xi32, #tpu.memory_space<vmem>> -> memref<1x200xi32, #tpu.memory_space<vmem>>
        %dma_start3A_456 = tpu.memref_squeeze %dma_start3A_455 : memref<1x200xi32, #tpu.memory_space<vmem>> -> memref<200xi32, #tpu.memory_space<vmem>>
        %dma_start3A_457 = arith.constant 0 : i32
        %dma_start3A_458 = arith.constant 0 : i32
        %dma_start3A_459 = tpu.memref_slice %arg5[%arg0, %dma_start3A_457, %dma_start3A_458] : memref<2x100000x64xi32, #tpu.memory_space<hbm>> -> memref<1x100000x64xi32, #tpu.memory_space<hbm>>
        %dma_start3A_460 = tpu.memref_squeeze %dma_start3A_459 : memref<1x100000x64xi32, #tpu.memory_space<hbm>> -> memref<100000x64xi32, #tpu.memory_space<hbm>>
        %dma_start3A_461 = arith.constant 0 : i32
        %dma_start3A_462 = arith.constant 0 : i32
        %dma_start3A_463 = tpu.memref_slice %dma_start3A_460[%dma_start3A_461, %dma_start3A_462] : memref<100000x64xi32, #tpu.memory_space<hbm>> -> memref<100000x64xi32, #tpu.memory_space<hbm>>
        tpu.enqueue_indirect_dma source(%dma_start3A_463 : memref<100000x64xi32, #tpu.memory_space<hbm>>) target(%dma_start3A_453 : memref<200x64xi32, #tpu.memory_space<vmem>>) offsets(%dma_start3A_456 : memref<200xi32, #tpu.memory_space<vmem>>) semaphore(%arg11 : memref<!tpu.dma_semaphore, #tpu.memory_space<semaphore_mem>>)
      } else {
      }
      %add3A_369 = arith.addi %mul3A_2, %add3A_334 : i32
      %dma_start3A_370 = arith.constant 2 : i32
      %dma_start3A_371 = arith.constant 0 : i32
      %dma_start3A_372 = arith.constant 0 : i32
      %dma_start3A_373 = tpu.memref_slice %arg8[%dma_start3A_370, %dma_start3A_371, %dma_start3A_372] : memref<4x200x128xbf16, #tpu.memory_space<vmem>> -> memref<1x200x128xbf16, #tpu.memory_space<vmem>>
      %dma_start3A_374 = tpu.memref_squeeze %dma_start3A_373 : memref<1x200x128xbf16, #tpu.memory_space<vmem>> -> memref<200x128xbf16, #tpu.memory_space<vmem>>
      %dma_start3A_375 = arith.constant 0 : i32
      %dma_start3A_376 = arith.constant 0 : i32
      %dma_start3A_377 = tpu.memref_slice %arg4[%add3A_369, %dma_start3A_375, %dma_start3A_376] : memref<4096x200x128xbf16, #tpu.memory_space<hbm>> -> memref<1x200x128xbf16, #tpu.memory_space<hbm>>
      %dma_start3A_378 = tpu.memref_squeeze %dma_start3A_377 : memref<1x200x128xbf16, #tpu.memory_space<hbm>> -> memref<200x128xbf16, #tpu.memory_space<hbm>>
      %dma_start3A_379 = arith.constant 0 : i32
      %dma_start3A_380 = arith.constant 0 : i32
      %dma_start3A_381 = tpu.memref_slice %arg4[%add3A_369, %dma_start3A_379, %dma_start3A_380] : memref<4096x200x128xbf16, #tpu.memory_space<hbm>> -> memref<1x200x128xbf16, #tpu.memory_space<hbm>>
      %dma_start3A_382 = tpu.memref_squeeze %dma_start3A_381 : memref<1x200x128xbf16, #tpu.memory_space<hbm>> -> memref<200x128xbf16, #tpu.memory_space<hbm>>
      %dma_start3A_383 = arith.constant 0 : i32
      %dma_start3A_384 = arith.constant 0 : i32
      %dma_start3A_385 = tpu.memref_slice %arg8[%dma_start3A_370, %dma_start3A_383, %dma_start3A_384] : memref<4x200x128xbf16, #tpu.memory_space<vmem>> -> memref<1x200x128xbf16, #tpu.memory_space<vmem>>
      %dma_start3A_386 = tpu.memref_squeeze %dma_start3A_385 : memref<1x200x128xbf16, #tpu.memory_space<vmem>> -> memref<200x128xbf16, #tpu.memory_space<vmem>>
      tpu.enqueue_dma source(%dma_start3A_386 : memref<200x128xbf16, #tpu.memory_space<vmem>>) target(%dma_start3A_382 : memref<200x128xbf16, #tpu.memory_space<hbm>>) target_semaphore(%arg15 : memref<!tpu.dma_semaphore, #tpu.memory_space<semaphore_mem>>)
      %mul3A_387 = arith.constant 4 : i32
      %mul3A_388 = arith.muli %scan3A_222, %mul3A_387 : i32
      %add3A_389 = arith.constant 3 : i32
      %add3A_390 = arith.addi %mul3A_388, %add3A_389 : i32
      %dma_wait3A_391 = arith.constant 0 : i32
      %dma_wait3A_392 = arith.constant 3 : i32
      %dma_wait3A_393 = arith.constant 0 : i32
      %dma_wait3A_394 = arith.constant 0 : i32
      %dma_wait3A_395 = tpu.memref_slice %arg7[%dma_wait3A_392, %dma_wait3A_393, %dma_wait3A_394] : memref<4x200x64xi32, #tpu.memory_space<vmem>> -> memref<1x200x64xi32, #tpu.memory_space<vmem>>
      %dma_wait3A_396 = tpu.memref_squeeze %dma_wait3A_395 : memref<1x200x64xi32, #tpu.memory_space<vmem>> -> memref<200x64xi32, #tpu.memory_space<vmem>>
      %dma_wait3A_397 = arith.constant 0 : i32
      %dma_wait3A_398 = tpu.memref_slice %arg6[%dma_wait3A_391, %dma_wait3A_397] : memref<128x200xi32, #tpu.memory_space<vmem>> -> memref<1x200xi32, #tpu.memory_space<vmem>>
      %dma_wait3A_399 = tpu.memref_squeeze %dma_wait3A_398 : memref<1x200xi32, #tpu.memory_space<vmem>> -> memref<200xi32, #tpu.memory_space<vmem>>
      %dma_wait3A_400 = arith.constant 0 : i32
      %dma_wait3A_401 = arith.constant 0 : i32
      %dma_wait3A_402 = tpu.memref_slice %arg5[%arg0, %dma_wait3A_400, %dma_wait3A_401] : memref<2x100000x64xi32, #tpu.memory_space<hbm>> -> memref<1x100000x64xi32, #tpu.memory_space<hbm>>
      %dma_wait3A_403 = tpu.memref_squeeze %dma_wait3A_402 : memref<1x100000x64xi32, #tpu.memory_space<hbm>> -> memref<100000x64xi32, #tpu.memory_space<hbm>>
      %dma_wait3A_404 = arith.constant 0 : i32
      %dma_wait3A_405 = arith.constant 0 : i32
      %dma_wait3A_406 = tpu.memref_slice %dma_wait3A_403[%dma_wait3A_404, %dma_wait3A_405] : memref<100000x64xi32, #tpu.memory_space<hbm>> -> memref<100000x64xi32, #tpu.memory_space<hbm>>
      tpu.wait_indirect_dma semaphore(%arg12 : memref<!tpu.dma_semaphore, #tpu.memory_space<semaphore_mem>>) src(%dma_wait3A_406 : memref<100000x64xi32, #tpu.memory_space<hbm>>) dst(%dma_wait3A_396 : memref<200x64xi32, #tpu.memory_space<vmem>>)
      %gt3A_407 = arith.constant 0 : i32
      %gt3A_408 = arith.cmpi sgt, %scan3A_222, %gt3A_407 : i32
      %convert_element_type3A_409 = arith.extui %gt3A_408 : i1 to i32
      %cond3A_410 = arith.constant 0 : i32
      %cond3A_411 = arith.cmpi ne, %convert_element_type3A_409, %cond3A_410 : i32
      scf.if %cond3A_411 {
        %dma_wait3A_443 = arith.constant 3 : i32
        %dma_wait3A_444 = arith.constant 0 : i32
        %dma_wait3A_445 = arith.constant 0 : i32
        %dma_wait3A_446 = tpu.memref_slice %arg8[%dma_wait3A_443, %dma_wait3A_444, %dma_wait3A_445] : memref<4x200x128xbf16, #tpu.memory_space<vmem>> -> memref<1x200x128xbf16, #tpu.memory_space<vmem>>
        %dma_wait3A_447 = tpu.memref_squeeze %dma_wait3A_446 : memref<1x200x128xbf16, #tpu.memory_space<vmem>> -> memref<200x128xbf16, #tpu.memory_space<vmem>>
        %dma_wait3A_448 = arith.constant 0 : i32
        %dma_wait3A_449 = arith.constant 0 : i32
        %dma_wait3A_450 = tpu.memref_slice %arg4[%mul3A_2, %dma_wait3A_448, %dma_wait3A_449] : memref<4096x200x128xbf16, #tpu.memory_space<hbm>> -> memref<1x200x128xbf16, #tpu.memory_space<hbm>>
        %dma_wait3A_451 = tpu.memref_squeeze %dma_wait3A_450 : memref<1x200x128xbf16, #tpu.memory_space<hbm>> -> memref<200x128xbf16, #tpu.memory_space<hbm>>
        %dma_wait3A_452 = arith.constant 0 : i32
        %dma_wait3A_453 = arith.constant 0 : i32
        %dma_wait3A_454 = tpu.memref_slice %arg4[%mul3A_2, %dma_wait3A_452, %dma_wait3A_453] : memref<4096x200x128xbf16, #tpu.memory_space<hbm>> -> memref<1x200x128xbf16, #tpu.memory_space<hbm>>
        %dma_wait3A_455 = tpu.memref_squeeze %dma_wait3A_454 : memref<1x200x128xbf16, #tpu.memory_space<hbm>> -> memref<200x128xbf16, #tpu.memory_space<hbm>>
        %dma_wait3A_456 = arith.constant 0 : i32
        %dma_wait3A_457 = arith.constant 0 : i32
        %dma_wait3A_458 = tpu.memref_slice %arg8[%dma_wait3A_443, %dma_wait3A_456, %dma_wait3A_457] : memref<4x200x128xbf16, #tpu.memory_space<vmem>> -> memref<1x200x128xbf16, #tpu.memory_space<vmem>>
        %dma_wait3A_459 = tpu.memref_squeeze %dma_wait3A_458 : memref<1x200x128xbf16, #tpu.memory_space<vmem>> -> memref<200x128xbf16, #tpu.memory_space<vmem>>
        tpu.wait_dma2 semaphore(%arg16 : memref<!tpu.dma_semaphore, #tpu.memory_space<semaphore_mem>>) src(%dma_wait3A_459 : memref<200x128xbf16, #tpu.memory_space<vmem>>) dst(%dma_wait3A_455 : memref<200x128xbf16, #tpu.memory_space<hbm>>)
      } else {
      }
      %scan3A_412 = arith.constant 0 : i32
      %scan3A_413 = arith.constant 3 : i32
      %scan3A_414 = arith.constant 3 : i32
      %scan3A_415 = arith.constant 0 : i32
      %scan3A_416 = arith.constant 200 : i32
      %scan3A_417 = arith.addi %scan3A_415, %scan3A_416 : i32
      %scan3A_418 = arith.constant 1 : i32
      scf.for %scan3A_443 = %scan3A_415 to %scan3A_417 step %scan3A_418  : i32 {
        %get3A = arith.constant 0 : i32
        %get3A_444 = arith.constant 0 : i32
        %get3A_445 = tpu.memref_slice %arg7[%scan3A_413, %get3A, %get3A_444] : memref<4x200x64xi32, #tpu.memory_space<vmem>> -> memref<1x200x64xi32, #tpu.memory_space<vmem>>
        %get3A_446 = tpu.memref_squeeze %get3A_445 : memref<1x200x64xi32, #tpu.memory_space<vmem>> -> memref<200x64xi32, #tpu.memory_space<vmem>>
        %get3A_447 = arith.index_cast %scan3A_443 : i32 to index
        %get3A_448 = arith.constant 0 : index
        %get3A_449 = tpu.vector_load %get3A_446[%get3A_447, %get3A_448] {strides = array<i32>} : memref<200x64xi32, #tpu.memory_space<vmem>>, vector<16xi32>,
        %bitcast3A = vector.bitcast %get3A_449 : vector<16xi32> to vector<32xbf16>
        %swap3A = arith.constant 0 : i32
        %swap3A_450 = arith.constant 0 : i32
        %swap3A_451 = tpu.memref_slice %arg8[%scan3A_414, %swap3A, %swap3A_450] : memref<4x200x128xbf16, #tpu.memory_space<vmem>> -> memref<1x200x128xbf16, #tpu.memory_space<vmem>>
        %swap3A_452 = tpu.memref_squeeze %swap3A_451 : memref<1x200x128xbf16, #tpu.memory_space<vmem>> -> memref<200x128xbf16, #tpu.memory_space<vmem>>
        %swap3A_453 = arith.index_cast %scan3A_443 : i32 to index
        %swap3A_454 = arith.constant 0 : index
        %swap3A_455 = tpu.vector_load %swap3A_452[%swap3A_453, %swap3A_454] {strides = array<i32>} : memref<200x128xbf16, #tpu.memory_space<vmem>>, vector<32xbf16>,
        tpu.vector_store %swap3A_452[%swap3A_453, %swap3A_454], %bitcast3A {strides = array<i32>} : memref<200x128xbf16, #tpu.memory_space<vmem>>, vector<32xbf16>,
        %get3A_456 = arith.constant 0 : i32
        %get3A_457 = arith.constant 0 : i32
        %get3A_458 = tpu.memref_slice %arg7[%scan3A_413, %get3A_456, %get3A_457] : memref<4x200x64xi32, #tpu.memory_space<vmem>> -> memref<1x200x64xi32, #tpu.memory_space<vmem>>
        %get3A_459 = tpu.memref_squeeze %get3A_458 : memref<1x200x64xi32, #tpu.memory_space<vmem>> -> memref<200x64xi32, #tpu.memory_space<vmem>>
        %get3A_460 = arith.index_cast %scan3A_443 : i32 to index
        %get3A_461 = arith.constant 16 : index
        %get3A_462 = tpu.vector_load %get3A_459[%get3A_460, %get3A_461] {strides = array<i32>} : memref<200x64xi32, #tpu.memory_space<vmem>>, vector<16xi32>,
        %bitcast3A_463 = vector.bitcast %get3A_462 : vector<16xi32> to vector<32xbf16>
        %swap3A_464 = arith.constant 0 : i32
        %swap3A_465 = arith.constant 0 : i32
        %swap3A_466 = tpu.memref_slice %arg8[%scan3A_414, %swap3A_464, %swap3A_465] : memref<4x200x128xbf16, #tpu.memory_space<vmem>> -> memref<1x200x128xbf16, #tpu.memory_space<vmem>>
        %swap3A_467 = tpu.memref_squeeze %swap3A_466 : memref<1x200x128xbf16, #tpu.memory_space<vmem>> -> memref<200x128xbf16, #tpu.memory_space<vmem>>
        %swap3A_468 = arith.index_cast %scan3A_443 : i32 to index
        %swap3A_469 = arith.constant 32 : index
        %swap3A_470 = tpu.vector_load %swap3A_467[%swap3A_468, %swap3A_469] {strides = array<i32>} : memref<200x128xbf16, #tpu.memory_space<vmem>>, vector<32xbf16>,
        tpu.vector_store %swap3A_467[%swap3A_468, %swap3A_469], %bitcast3A_463 {strides = array<i32>} : memref<200x128xbf16, #tpu.memory_space<vmem>>, vector<32xbf16>,
        %get3A_471 = arith.constant 0 : i32
        %get3A_472 = arith.constant 0 : i32
        %get3A_473 = tpu.memref_slice %arg7[%scan3A_413, %get3A_471, %get3A_472] : memref<4x200x64xi32, #tpu.memory_space<vmem>> -> memref<1x200x64xi32, #tpu.memory_space<vmem>>
        %get3A_474 = tpu.memref_squeeze %get3A_473 : memref<1x200x64xi32, #tpu.memory_space<vmem>> -> memref<200x64xi32, #tpu.memory_space<vmem>>
        %get3A_475 = arith.index_cast %scan3A_443 : i32 to index
        %get3A_476 = arith.constant 32 : index
        %get3A_477 = tpu.vector_load %get3A_474[%get3A_475, %get3A_476] {strides = array<i32>} : memref<200x64xi32, #tpu.memory_space<vmem>>, vector<16xi32>,
        %bitcast3A_478 = vector.bitcast %get3A_477 : vector<16xi32> to vector<32xbf16>
        %swap3A_479 = arith.constant 0 : i32
        %swap3A_480 = arith.constant 0 : i32
        %swap3A_481 = tpu.memref_slice %arg8[%scan3A_414, %swap3A_479, %swap3A_480] : memref<4x200x128xbf16, #tpu.memory_space<vmem>> -> memref<1x200x128xbf16, #tpu.memory_space<vmem>>
        %swap3A_482 = tpu.memref_squeeze %swap3A_481 : memref<1x200x128xbf16, #tpu.memory_space<vmem>> -> memref<200x128xbf16, #tpu.memory_space<vmem>>
        %swap3A_483 = arith.index_cast %scan3A_443 : i32 to index
        %swap3A_484 = arith.constant 64 : index
        %swap3A_485 = tpu.vector_load %swap3A_482[%swap3A_483, %swap3A_484] {strides = array<i32>} : memref<200x128xbf16, #tpu.memory_space<vmem>>, vector<32xbf16>,
        tpu.vector_store %swap3A_482[%swap3A_483, %swap3A_484], %bitcast3A_478 {strides = array<i32>} : memref<200x128xbf16, #tpu.memory_space<vmem>>, vector<32xbf16>,
        %get3A_486 = arith.constant 0 : i32
        %get3A_487 = arith.constant 0 : i32
        %get3A_488 = tpu.memref_slice %arg7[%scan3A_413, %get3A_486, %get3A_487] : memref<4x200x64xi32, #tpu.memory_space<vmem>> -> memref<1x200x64xi32, #tpu.memory_space<vmem>>
        %get3A_489 = tpu.memref_squeeze %get3A_488 : memref<1x200x64xi32, #tpu.memory_space<vmem>> -> memref<200x64xi32, #tpu.memory_space<vmem>>
        %get3A_490 = arith.index_cast %scan3A_443 : i32 to index
        %get3A_491 = arith.constant 48 : index
        %get3A_492 = tpu.vector_load %get3A_489[%get3A_490, %get3A_491] {strides = array<i32>} : memref<200x64xi32, #tpu.memory_space<vmem>>, vector<16xi32>,
        %bitcast3A_493 = vector.bitcast %get3A_492 : vector<16xi32> to vector<32xbf16>
        %swap3A_494 = arith.constant 0 : i32
        %swap3A_495 = arith.constant 0 : i32
        %swap3A_496 = tpu.memref_slice %arg8[%scan3A_414, %swap3A_494, %swap3A_495] : memref<4x200x128xbf16, #tpu.memory_space<vmem>> -> memref<1x200x128xbf16, #tpu.memory_space<vmem>>
        %swap3A_497 = tpu.memref_squeeze %swap3A_496 : memref<1x200x128xbf16, #tpu.memory_space<vmem>> -> memref<200x128xbf16, #tpu.memory_space<vmem>>
        %swap3A_498 = arith.index_cast %scan3A_443 : i32 to index
        %swap3A_499 = arith.constant 96 : index
        %swap3A_500 = tpu.vector_load %swap3A_497[%swap3A_498, %swap3A_499] {strides = array<i32>} : memref<200x128xbf16, #tpu.memory_space<vmem>>, vector<32xbf16>,
        tpu.vector_store %swap3A_497[%swap3A_498, %swap3A_499], %bitcast3A_493 {strides = array<i32>} : memref<200x128xbf16, #tpu.memory_space<vmem>>, vector<32xbf16>,
      }
      %scan3A_419 = arith.constant 200 : i32
      %lt3A_420 = arith.constant 31 : i32
      %lt3A_421 = arith.cmpi slt, %scan3A_222, %lt3A_420 : i32
      %convert_element_type3A_422 = arith.extui %lt3A_421 : i1 to i32
      %cond3A_423 = arith.constant 0 : i32
      %cond3A_424 = arith.cmpi ne, %convert_element_type3A_422, %cond3A_423 : i32
      scf.if %cond3A_424 {
        %add3A_443 = arith.constant 1 : i32
        %add3A_444 = arith.addi %scan3A_222, %add3A_443 : i32
        %mul3A_445 = arith.constant 4 : i32
        %mul3A_446 = arith.muli %add3A_444, %mul3A_445 : i32
        %add3A_447 = arith.constant 3 : i32
        %add3A_448 = arith.addi %mul3A_446, %add3A_447 : i32
        %dma_start3A_449 = arith.constant 3 : i32
        %dma_start3A_450 = arith.constant 0 : i32
        %dma_start3A_451 = arith.constant 0 : i32
        %dma_start3A_452 = tpu.memref_slice %arg7[%dma_start3A_449, %dma_start3A_450, %dma_start3A_451] : memref<4x200x64xi32, #tpu.memory_space<vmem>> -> memref<1x200x64xi32, #tpu.memory_space<vmem>>
        %dma_start3A_453 = tpu.memref_squeeze %dma_start3A_452 : memref<1x200x64xi32, #tpu.memory_space<vmem>> -> memref<200x64xi32, #tpu.memory_space<vmem>>
        %dma_start3A_454 = arith.constant 0 : i32
        %dma_start3A_455 = tpu.memref_slice %arg6[%add3A_448, %dma_start3A_454] : memref<128x200xi32, #tpu.memory_space<vmem>> -> memref<1x200xi32, #tpu.memory_space<vmem>>
        %dma_start3A_456 = tpu.memref_squeeze %dma_start3A_455 : memref<1x200xi32, #tpu.memory_space<vmem>> -> memref<200xi32, #tpu.memory_space<vmem>>
        %dma_start3A_457 = arith.constant 0 : i32
        %dma_start3A_458 = arith.constant 0 : i32
        %dma_start3A_459 = tpu.memref_slice %arg5[%arg0, %dma_start3A_457, %dma_start3A_458] : memref<2x100000x64xi32, #tpu.memory_space<hbm>> -> memref<1x100000x64xi32, #tpu.memory_space<hbm>>
        %dma_start3A_460 = tpu.memref_squeeze %dma_start3A_459 : memref<1x100000x64xi32, #tpu.memory_space<hbm>> -> memref<100000x64xi32, #tpu.memory_space<hbm>>
        %dma_start3A_461 = arith.constant 0 : i32
        %dma_start3A_462 = arith.constant 0 : i32
        %dma_start3A_463 = tpu.memref_slice %dma_start3A_460[%dma_start3A_461, %dma_start3A_462] : memref<100000x64xi32, #tpu.memory_space<hbm>> -> memref<100000x64xi32, #tpu.memory_space<hbm>>
        tpu.enqueue_indirect_dma source(%dma_start3A_463 : memref<100000x64xi32, #tpu.memory_space<hbm>>) target(%dma_start3A_453 : memref<200x64xi32, #tpu.memory_space<vmem>>) offsets(%dma_start3A_456 : memref<200xi32, #tpu.memory_space<vmem>>) semaphore(%arg12 : memref<!tpu.dma_semaphore, #tpu.memory_space<semaphore_mem>>)
      } else {
      }
      %add3A_425 = arith.addi %mul3A_2, %add3A_390 : i32
      %dma_start3A_426 = arith.constant 3 : i32
      %dma_start3A_427 = arith.constant 0 : i32
      %dma_start3A_428 = arith.constant 0 : i32
      %dma_start3A_429 = tpu.memref_slice %arg8[%dma_start3A_426, %dma_start3A_427, %dma_start3A_428] : memref<4x200x128xbf16, #tpu.memory_space<vmem>> -> memref<1x200x128xbf16, #tpu.memory_space<vmem>>
      %dma_start3A_430 = tpu.memref_squeeze %dma_start3A_429 : memref<1x200x128xbf16, #tpu.memory_space<vmem>> -> memref<200x128xbf16, #tpu.memory_space<vmem>>
      %dma_start3A_431 = arith.constant 0 : i32
      %dma_start3A_432 = arith.constant 0 : i32
      %dma_start3A_433 = tpu.memref_slice %arg4[%add3A_425, %dma_start3A_431, %dma_start3A_432] : memref<4096x200x128xbf16, #tpu.memory_space<hbm>> -> memref<1x200x128xbf16, #tpu.memory_space<hbm>>
      %dma_start3A_434 = tpu.memref_squeeze %dma_start3A_433 : memref<1x200x128xbf16, #tpu.memory_space<hbm>> -> memref<200x128xbf16, #tpu.memory_space<hbm>>
      %dma_start3A_435 = arith.constant 0 : i32
      %dma_start3A_436 = arith.constant 0 : i32
      %dma_start3A_437 = tpu.memref_slice %arg4[%add3A_425, %dma_start3A_435, %dma_start3A_436] : memref<4096x200x128xbf16, #tpu.memory_space<hbm>> -> memref<1x200x128xbf16, #tpu.memory_space<hbm>>
      %dma_start3A_438 = tpu.memref_squeeze %dma_start3A_437 : memref<1x200x128xbf16, #tpu.memory_space<hbm>> -> memref<200x128xbf16, #tpu.memory_space<hbm>>
      %dma_start3A_439 = arith.constant 0 : i32
      %dma_start3A_440 = arith.constant 0 : i32
      %dma_start3A_441 = tpu.memref_slice %arg8[%dma_start3A_426, %dma_start3A_439, %dma_start3A_440] : memref<4x200x128xbf16, #tpu.memory_space<vmem>> -> memref<1x200x128xbf16, #tpu.memory_space<vmem>>
      %dma_start3A_442 = tpu.memref_squeeze %dma_start3A_441 : memref<1x200x128xbf16, #tpu.memory_space<vmem>> -> memref<200x128xbf16, #tpu.memory_space<vmem>>
      tpu.enqueue_dma source(%dma_start3A_442 : memref<200x128xbf16, #tpu.memory_space<vmem>>) target(%dma_start3A_438 : memref<200x128xbf16, #tpu.memory_space<hbm>>) target_semaphore(%arg16 : memref<!tpu.dma_semaphore, #tpu.memory_space<semaphore_mem>>)
    }
    %scan3A_153 = arith.constant 32 : i32
    %dma_wait3A_154 = arith.constant 0 : i32
    %dma_wait3A_155 = arith.constant 0 : i32
    %dma_wait3A_156 = arith.constant 0 : i32
    %dma_wait3A_157 = tpu.memref_slice %arg8[%dma_wait3A_154, %dma_wait3A_155, %dma_wait3A_156] : memref<4x200x128xbf16, #tpu.memory_space<vmem>> -> memref<1x200x128xbf16, #tpu.memory_space<vmem>>
    %dma_wait3A_158 = tpu.memref_squeeze %dma_wait3A_157 : memref<1x200x128xbf16, #tpu.memory_space<vmem>> -> memref<200x128xbf16, #tpu.memory_space<vmem>>
    %dma_wait3A_159 = arith.constant 0 : i32
    %dma_wait3A_160 = arith.constant 0 : i32
    %dma_wait3A_161 = tpu.memref_slice %arg4[%mul3A_2, %dma_wait3A_159, %dma_wait3A_160] : memref<4096x200x128xbf16, #tpu.memory_space<hbm>> -> memref<1x200x128xbf16, #tpu.memory_space<hbm>>
    %dma_wait3A_162 = tpu.memref_squeeze %dma_wait3A_161 : memref<1x200x128xbf16, #tpu.memory_space<hbm>> -> memref<200x128xbf16, #tpu.memory_space<hbm>>
    %dma_wait3A_163 = arith.constant 0 : i32
    %dma_wait3A_164 = arith.constant 0 : i32
    %dma_wait3A_165 = tpu.memref_slice %arg4[%mul3A_2, %dma_wait3A_163, %dma_wait3A_164] : memref<4096x200x128xbf16, #tpu.memory_space<hbm>> -> memref<1x200x128xbf16, #tpu.memory_space<hbm>>
    %dma_wait3A_166 = tpu.memref_squeeze %dma_wait3A_165 : memref<1x200x128xbf16, #tpu.memory_space<hbm>> -> memref<200x128xbf16, #tpu.memory_space<hbm>>
    %dma_wait3A_167 = arith.constant 0 : i32
    %dma_wait3A_168 = arith.constant 0 : i32
    %dma_wait3A_169 = tpu.memref_slice %arg8[%dma_wait3A_154, %dma_wait3A_167, %dma_wait3A_168] : memref<4x200x128xbf16, #tpu.memory_space<vmem>> -> memref<1x200x128xbf16, #tpu.memory_space<vmem>>
    %dma_wait3A_170 = tpu.memref_squeeze %dma_wait3A_169 : memref<1x200x128xbf16, #tpu.memory_space<vmem>> -> memref<200x128xbf16, #tpu.memory_space<vmem>>
    tpu.wait_dma2 semaphore(%arg13 : memref<!tpu.dma_semaphore, #tpu.memory_space<semaphore_mem>>) src(%dma_wait3A_170 : memref<200x128xbf16, #tpu.memory_space<vmem>>) dst(%dma_wait3A_166 : memref<200x128xbf16, #tpu.memory_space<hbm>>)
    %dma_wait3A_171 = arith.constant 1 : i32
    %dma_wait3A_172 = arith.constant 0 : i32
    %dma_wait3A_173 = arith.constant 0 : i32
    %dma_wait3A_174 = tpu.memref_slice %arg8[%dma_wait3A_171, %dma_wait3A_172, %dma_wait3A_173] : memref<4x200x128xbf16, #tpu.memory_space<vmem>> -> memref<1x200x128xbf16, #tpu.memory_space<vmem>>
    %dma_wait3A_175 = tpu.memref_squeeze %dma_wait3A_174 : memref<1x200x128xbf16, #tpu.memory_space<vmem>> -> memref<200x128xbf16, #tpu.memory_space<vmem>>
    %dma_wait3A_176 = arith.constant 0 : i32
    %dma_wait3A_177 = arith.constant 0 : i32
    %dma_wait3A_178 = tpu.memref_slice %arg4[%mul3A_2, %dma_wait3A_176, %dma_wait3A_177] : memref<4096x200x128xbf16, #tpu.memory_space<hbm>> -> memref<1x200x128xbf16, #tpu.memory_space<hbm>>
    %dma_wait3A_179 = tpu.memref_squeeze %dma_wait3A_178 : memref<1x200x128xbf16, #tpu.memory_space<hbm>> -> memref<200x128xbf16, #tpu.memory_space<hbm>>
    %dma_wait3A_180 = arith.constant 0 : i32
    %dma_wait3A_181 = arith.constant 0 : i32
    %dma_wait3A_182 = tpu.memref_slice %arg4[%mul3A_2, %dma_wait3A_180, %dma_wait3A_181] : memref<4096x200x128xbf16, #tpu.memory_space<hbm>> -> memref<1x200x128xbf16, #tpu.memory_space<hbm>>
    %dma_wait3A_183 = tpu.memref_squeeze %dma_wait3A_182 : memref<1x200x128xbf16, #tpu.memory_space<hbm>> -> memref<200x128xbf16, #tpu.memory_space<hbm>>
    %dma_wait3A_184 = arith.constant 0 : i32
    %dma_wait3A_185 = arith.constant 0 : i32
    %dma_wait3A_186 = tpu.memref_slice %arg8[%dma_wait3A_171, %dma_wait3A_184, %dma_wait3A_185] : memref<4x200x128xbf16, #tpu.memory_space<vmem>> -> memref<1x200x128xbf16, #tpu.memory_space<vmem>>
    %dma_wait3A_187 = tpu.memref_squeeze %dma_wait3A_186 : memref<1x200x128xbf16, #tpu.memory_space<vmem>> -> memref<200x128xbf16, #tpu.memory_space<vmem>>
    tpu.wait_dma2 semaphore(%arg14 : memref<!tpu.dma_semaphore, #tpu.memory_space<semaphore_mem>>) src(%dma_wait3A_187 : memref<200x128xbf16, #tpu.memory_space<vmem>>) dst(%dma_wait3A_183 : memref<200x128xbf16, #tpu.memory_space<hbm>>)
    %dma_wait3A_188 = arith.constant 2 : i32
    %dma_wait3A_189 = arith.constant 0 : i32
    %dma_wait3A_190 = arith.constant 0 : i32
    %dma_wait3A_191 = tpu.memref_slice %arg8[%dma_wait3A_188, %dma_wait3A_189, %dma_wait3A_190] : memref<4x200x128xbf16, #tpu.memory_space<vmem>> -> memref<1x200x128xbf16, #tpu.memory_space<vmem>>
    %dma_wait3A_192 = tpu.memref_squeeze %dma_wait3A_191 : memref<1x200x128xbf16, #tpu.memory_space<vmem>> -> memref<200x128xbf16, #tpu.memory_space<vmem>>
    %dma_wait3A_193 = arith.constant 0 : i32
    %dma_wait3A_194 = arith.constant 0 : i32
    %dma_wait3A_195 = tpu.memref_slice %arg4[%mul3A_2, %dma_wait3A_193, %dma_wait3A_194] : memref<4096x200x128xbf16, #tpu.memory_space<hbm>> -> memref<1x200x128xbf16, #tpu.memory_space<hbm>>
    %dma_wait3A_196 = tpu.memref_squeeze %dma_wait3A_195 : memref<1x200x128xbf16, #tpu.memory_space<hbm>> -> memref<200x128xbf16, #tpu.memory_space<hbm>>
    %dma_wait3A_197 = arith.constant 0 : i32
    %dma_wait3A_198 = arith.constant 0 : i32
    %dma_wait3A_199 = tpu.memref_slice %arg4[%mul3A_2, %dma_wait3A_197, %dma_wait3A_198] : memref<4096x200x128xbf16, #tpu.memory_space<hbm>> -> memref<1x200x128xbf16, #tpu.memory_space<hbm>>
    %dma_wait3A_200 = tpu.memref_squeeze %dma_wait3A_199 : memref<1x200x128xbf16, #tpu.memory_space<hbm>> -> memref<200x128xbf16, #tpu.memory_space<hbm>>
    %dma_wait3A_201 = arith.constant 0 : i32
    %dma_wait3A_202 = arith.constant 0 : i32
    %dma_wait3A_203 = tpu.memref_slice %arg8[%dma_wait3A_188, %dma_wait3A_201, %dma_wait3A_202] : memref<4x200x128xbf16, #tpu.memory_space<vmem>> -> memref<1x200x128xbf16, #tpu.memory_space<vmem>>
    %dma_wait3A_204 = tpu.memref_squeeze %dma_wait3A_203 : memref<1x200x128xbf16, #tpu.memory_space<vmem>> -> memref<200x128xbf16, #tpu.memory_space<vmem>>
    tpu.wait_dma2 semaphore(%arg15 : memref<!tpu.dma_semaphore, #tpu.memory_space<semaphore_mem>>) src(%dma_wait3A_204 : memref<200x128xbf16, #tpu.memory_space<vmem>>) dst(%dma_wait3A_200 : memref<200x128xbf16, #tpu.memory_space<hbm>>)
    %dma_wait3A_205 = arith.constant 3 : i32
    %dma_wait3A_206 = arith.constant 0 : i32
    %dma_wait3A_207 = arith.constant 0 : i32
    %dma_wait3A_208 = tpu.memref_slice %arg8[%dma_wait3A_205, %dma_wait3A_206, %dma_wait3A_207] : memref<4x200x128xbf16, #tpu.memory_space<vmem>> -> memref<1x200x128xbf16, #tpu.memory_space<vmem>>
    %dma_wait3A_209 = tpu.memref_squeeze %dma_wait3A_208 : memref<1x200x128xbf16, #tpu.memory_space<vmem>> -> memref<200x128xbf16, #tpu.memory_space<vmem>>
    %dma_wait3A_210 = arith.constant 0 : i32
    %dma_wait3A_211 = arith.constant 0 : i32
    %dma_wait3A_212 = tpu.memref_slice %arg4[%mul3A_2, %dma_wait3A_210, %dma_wait3A_211] : memref<4096x200x128xbf16, #tpu.memory_space<hbm>> -> memref<1x200x128xbf16, #tpu.memory_space<hbm>>
    %dma_wait3A_213 = tpu.memref_squeeze %dma_wait3A_212 : memref<1x200x128xbf16, #tpu.memory_space<hbm>> -> memref<200x128xbf16, #tpu.memory_space<hbm>>
    %dma_wait3A_214 = arith.constant 0 : i32
    %dma_wait3A_215 = arith.constant 0 : i32
    %dma_wait3A_216 = tpu.memref_slice %arg4[%mul3A_2, %dma_wait3A_214, %dma_wait3A_215] : memref<4096x200x128xbf16, #tpu.memory_space<hbm>> -> memref<1x200x128xbf16, #tpu.memory_space<hbm>>
    %dma_wait3A_217 = tpu.memref_squeeze %dma_wait3A_216 : memref<1x200x128xbf16, #tpu.memory_space<hbm>> -> memref<200x128xbf16, #tpu.memory_space<hbm>>
    %dma_wait3A_218 = arith.constant 0 : i32
    %dma_wait3A_219 = arith.constant 0 : i32
    %dma_wait3A_220 = tpu.memref_slice %arg8[%dma_wait3A_205, %dma_wait3A_218, %dma_wait3A_219] : memref<4x200x128xbf16, #tpu.memory_space<vmem>> -> memref<1x200x128xbf16, #tpu.memory_space<vmem>>
    %dma_wait3A_221 = tpu.memref_squeeze %dma_wait3A_220 : memref<1x200x128xbf16, #tpu.memory_space<vmem>> -> memref<200x128xbf16, #tpu.memory_space<vmem>>
    tpu.wait_dma2 semaphore(%arg16 : memref<!tpu.dma_semaphore, #tpu.memory_space<semaphore_mem>>) src(%dma_wait3A_221 : memref<200x128xbf16, #tpu.memory_space<vmem>>) dst(%dma_wait3A_217 : memref<200x128xbf16, #tpu.memory_space<hbm>>)
    return
  }
}

</mosaic_0001>

<sc_bundles>
// kernel: kernel.3.cloned.1.call-start
scs
__scs_entry_jumppad:
0x0: {  	(pc) =	sbr.rel $0x88, $3  }
0x1: {  	(tag) =	ssettag $0x0;
	lr =	simm.s32 $0x1  }
0x2: {  	[smem:$0x3F9F] =	sst lr;
	_ =	strace $0xD0000000  }
0x3: {  	_ = 	snop  }
0x4: {  	_ = 	snop  }
0x5: {  	_ = 	snop  }
0x6: {  	_ = 	snop  }
0x7: {  	_ = 	snop  }
__scs_overlays_trampoline_lowered:
0x8: {  	[smem:$0x3FAE] =	sst s0  }
0x9: {  	[smem:$0x3FAF] =	sst s1  }
0xa: {  	[smem:$0x3FB0] =	sst s2  }
0xb: {  	[smem:$0x3FB1] =	sst s3  }
0xc: {  	[smem:$0x3FB2] =	sst s4  }
0xd: {  	[smem:$0x3FB3] =	sst s5  }
0xe: {  	[smem:$0x3FB4] =	sst s6  }
0xf: {  	[smem:$0x3FB5] =	sst s7  }
0x10: {  	[smem:$0x3FB6] =	sst s8  }
0x11: {  	[smem:$0x3FB7] =	sst s9;
	s0 =	simm.s32 @!p0 $0x0  }
0x12: {  	s1 =	sld [smem:$0x3F9D];
	s0 =	simm.s32 @p0 $0x1  }
0x13: {  	[smem:$0x3FB8] =	sst s0;
	s0 =	simm.s32 @!p1 $0x0  }
0x14: {  	s2 =	sld [smem:$0x3F9C];
	s0 =	simm.s32 @p1 $0x1  }
0x15: {  	[smem:$0x3FB9] =	sst s0;
	s0 =	simm.s32 @!p2 $0x0  }
0x16: {  	s3 =	sld [smem:$0x3FDB];
	s0 =	simm.s32 @p2 $0x1  }
0x17: {  	s4 =	simm.s32 $0x1BF5;
	[smem:$0x3FBB] =	sst s0  }
0x18: {  	s0 =	sld [smem:$0x3F9E];
	_ =	swait.ge [sflag:s4], $0x0  }
0x19: {  	s7 =	sld [smem:$0x3F9F]  }
0x1a: {  	s8 =	sadd.s32 $0xFFFFE003, lr  }
0x1b: {  	s9 =	sadd.s32 $0xFFFFFEF7, lr;
	s5 =	simm.s32 $0xFFFFFFFF;
	p2 =	slt.u32 s8, $0xFFFFF086  }
0x1c: {  	p1 =	slt.u32 s9, $0xF7A;
	s5 =	simm.s32 @!p2 $0x0  }
0x1d: {  	s5 =	simm.s32 @p1 $0x1;
	p0 =	seq.s32 s7, s2  }
0x1e: {  	s7 =	smul.u32 @!p0 $0xF7A, s2;
	p2 =	seq.s32 @!p0 s5, $0x0  }
0x1f: {  	s9 =	smul.u32 $0xF7A, s1;
	s8 =	simm.s32 @!p0 $0x1BF5;
	p2 =	por !p2, p0  }
0x20: {  	[sflag:s8] =	ssyncset.s32 @!p0 $0xFFFFF086;
	s6 =	sadd.s32 @!p0 s3, s7;
	s7 =	simm.s32 @!p0 $0x108  }
0x21: {  	s3 =	sadd.s32 s3, s9;
	s6 =	sadd.s32 @!p0 $0x88, s6;
	s7 =	simm.s32 @p2 $0x1082  }
0x22: {  	[simem:s7], [sflag:s8] =	dma.local @!p0 [hbm:s6], $0xF7A  }
0x23: {  	s9 =	sor.u32 $0xD0000000, s2;
	s6 =	simm.s32 $0x108;
	_ =	swait.ge @!p0 [sflag:s8], $0x0  }
0x24: {  	s3 =	sadd.s32 $0x88, s3;
	s6 =	simm.s32 @!p1 $0x1082;
	[sflag:s4] =	ssyncset.s32 $0xFFFFF086  }
0x25: {  	[simem:s6], [sflag:s4] =	dma.local [hbm:s3], $0xF7A  }
0x26: {  	[smem:$0x3F9F] =	sst s1;
	(tag) =	ssettag s2;
	_ =	strace s9  }
0x27: {  	s1 =	sld [smem:$0x3FAF]  }
0x28: {  	s2 =	sld [smem:$0x3FB0]  }
0x29: {  	s4 =	sld [smem:$0x3FB2]  }
0x2a: {  	p0 =	seq.s32 s5, $0x0;
	s5 =	sld [smem:$0x3FB3]  }
0x2b: {  	s6 =	sld [smem:$0x3FB4]  }
0x2c: {  	s7 =	sld [smem:$0x3FB5]  }
0x2d: {  	s3 =	simm.s32 $0x108;
	s8 =	sld [smem:$0x3FB6]  }
0x2e: {  	s3 =	simm.s32 @!p0 $0x1082;
	s9 =	sld [smem:$0x3FB7]  }
0x2f: {  	lr =	sadd.s32 s0, s3;
	s0 =	sld [smem:$0x3FAE]  }
0x30: {  	s3 =	sld [smem:$0x3FB1]  }
0x31: {  	[smem:$0x3FBA] =	sst s10  }
0x32: {  	s10 =	sld [smem:$0x3FB8];
	_ =	sdelay $0x3  }
0x33: {  	p0 =	seq.s32 s10, $0x1;
	s10 =	sld [smem:$0x3FBA];
	_ =	sdelay $0x3  }
0x34: {  	[smem:$0x3FBA] =	sst s10  }
0x35: {  	s10 =	sld [smem:$0x3FB9];
	_ =	sdelay $0x3  }
0x36: {  	p1 =	seq.s32 s10, $0x1;
	s10 =	sld [smem:$0x3FBA];
	_ =	sdelay $0x3  }
0x37: {  	[smem:$0x3FBA] =	sst s10  }
0x38: {  	s10 =	sld [smem:$0x3FBB]  }
0x39: {  	_ = 	snop;
	(pc) =	sbr.ind lr, $3  }
0x3a: {  	_ = 	snop  }
0x3b: {  	_ = 	snop  }
0x3c: {  	p2 =	seq.s32 s10, $0x1;
	s10 =	sld [smem:$0x3FBA]  }
0x3d: {  	_ =	shalt  }
0x3e: {  	_ =	shalt  }
0x3f: {  	_ =	shalt  }
0x40: {  	_ =	shalt  }
0x41: {  	_ =	shalt  }
0x42: {  	_ =	shalt  }
0x43: {  	_ =	shalt  }
0x44: {  	_ =	shalt  }
0x45: {  	_ =	shalt  }
0x46: {  	_ =	shalt  }
0x47: {  	_ =	shalt  }
0x48: {  	_ =	shalt  }
0x49: {  	_ =	shalt  }
0x4a: {  	_ =	shalt  }
0x4b: {  	_ =	shalt  }
0x4c: {  	_ =	shalt  }
0x4d: {  	_ =	shalt  }
0x4e: {  	_ =	shalt  }
0x4f: {  	_ =	shalt  }
0x50: {  	_ =	shalt  }
0x51: {  	_ =	shalt  }
0x52: {  	_ =	shalt  }
0x53: {  	_ =	shalt  }
0x54: {  	_ =	shalt  }
0x55: {  	_ =	shalt  }
0x56: {  	_ =	shalt  }
0x57: {  	_ =	shalt  }
0x58: {  	_ =	shalt  }
0x59: {  	_ =	shalt  }
0x5a: {  	_ =	shalt  }
0x5b: {  	_ =	shalt  }
0x5c: {  	_ =	shalt  }
0x5d: {  	_ =	shalt  }
0x5e: {  	_ =	shalt  }
0x5f: {  	_ =	shalt  }
0x60: {  	_ =	shalt  }
0x61: {  	_ =	shalt  }
0x62: {  	_ =	shalt  }
0x63: {  	_ =	shalt  }
0x64: {  	_ =	shalt  }
0x65: {  	_ =	shalt  }
0x66: {  	_ =	shalt  }
0x67: {  	_ =	shalt  }
0x68: {  	_ =	shalt  }
0x69: {  	_ =	shalt  }
0x6a: {  	_ =	shalt  }
0x6b: {  	_ =	shalt  }
0x6c: {  	_ =	shalt  }
0x6d: {  	_ =	shalt  }
0x6e: {  	_ =	shalt  }
0x6f: {  	_ =	shalt  }
0x70: {  	_ =	shalt  }
0x71: {  	_ =	shalt  }
0x72: {  	_ =	shalt  }
0x73: {  	_ =	shalt  }
0x74: {  	_ =	shalt  }
0x75: {  	_ =	shalt  }
0x76: {  	_ =	shalt  }
0x77: {  	_ =	shalt  }
0x78: {  	_ =	shalt  }
0x79: {  	_ =	shalt  }
0x7a: {  	_ =	shalt  }
0x7b: {  	_ =	shalt  }
0x7c: {  	_ =	shalt  }
0x7d: {  	_ =	shalt  }
0x7e: {  	_ =	shalt  }
0x7f: {  	_ =	shalt  }
0x80: {  	_ =	shalt  }
0x81: {  	_ =	shalt  }
0x82: {  	_ =	shalt  }
0x83: {  	_ =	shalt  }
0x84: {  	_ =	shalt  }
0x85: {  	_ =	shalt  }
0x86: {  	_ =	shalt  }
0x87: {  	_ =	shalt  }
.Lfunc_end0:
.L_simem_size_0:
called_computation_lowered:
.L_overlay_start_0:
0x88: {  	s2 =	sld [smem:$0x3FD9]  }
0x89: {  	s3 =	sld [smem:$0x3FFE];
	_ =	sdelay $0x1  }
0x8a: {  	s1 =	srdreg.scid  }
0x8b: {  	s0 =	sand.u32 $0x1, s1  }
0x8c: {  	s18 =	sshll.u32 s0, $0xA;
	s2 =	sadd.s32 s3, s2  }
0x8d: {  	s3 =	sadd.s32 s2, s18  }
0x8e: {  	[smem:$0x3FC6] =	sst s3  }
0x8f: {  	_ = 	snop  }
0x90: {  	s3 =	sld [smem:$0x3FD0];
	(tm) =	ssettm $0x1  }
0x91: {  	s4 =	sld [smem:$0x3FFB];
	_ =	sdelay $0x3  }
0x92: {  	_ =	strace s4  }
0x93: {  	s4 =	sld [smem:$0x3FFC];
	_ =	sdelay $0x3  }
0x94: {  	_ =	strace s4  }
0x95: {  	s4 =	sld [smem:$0x3FFD];
	_ =	sdelay $0x3  }
0x96: {  	_ =	strace s4  }
0x97: {  	_ =	strace $0x8FFFFFFF  }
0x98: {  	s19 =	sld [smem:$0x3FDB];
	_ =	sdelay $0x1  }
0x99: {  	s5 =	simm.s32 $_scs_section_size  }
0x9a: {  	s6 =	simm.s32 $_size__tile_overlayer_lowered;
	s7 =	simm.s32 $_tile_overlayer_lowered  }
0x9b: {  	s22 =	simm.s32 $0x1BFF;
	s21 =	sshll.u32 s7, $0x1;
	s4 =	sadd.s32 s5, s19  }
0x9c: {  	s8 =	simm.s32 $0x0;
	s20 =	sshll.u32 s6, $0x1;
	s6 =	sadd.s32 s21, s4  }
0x9d: {  	[timem:s8], [sflag:s22] =	dma.local [hbm:s6], s20  }
0x9e: {  	_ =	swait.ge [sflag:s22], s20  }
0x9f: {  	s5 =	ssub.s32 $0x0, s20;
	[sflag:s22] =	ssyncset.done $0x0  }
0xa0: {  	[sflag:s22] =	ssyncadd.s32 s5;
	_ =	sdelay $0x1  }
0xa1: {  	s23 =	simm.s32 $0x1B8B  }
0xa2: {  	_ =	swait.ge [sflag:s23], $0x1  }
0xa3: {  	[sflag:s23] =	ssyncset.done $0x0  }
0xa4: {  	s25 =	simm.s32 $0x1B8E;
	s24 =	sld [smem:$0x3FFE];
	[sflag:s23] =	ssyncadd.s32 $0xFFFFFFFF  }
0xa5: {  	s26 =	simm.s32 $execute0_lowered;
	[smem:$0x3FD2] =	sst s25  }
0xa6: {  	s6 =	sshll.u32 s26, $0x1;
	_ =	strace $0x80000046;
	[dreg:$0x1] =	wrdreg $0xFFFFFFFF  }
0xa7: {  	s28 =	simm.s32 $_size_execute0_lowered;
	s4 =	sadd.s32 s4, s6;
	[dreg:$0x0] =	wrdreg $0x0  }
0xa8: {  	s6 =	sshll.u32 s28, $0x1;
	[dreg:$0x2] =	wrdreg s4  }
0xa9: {  	[dreg:$0x3] =	wrdreg s6  }
0xaa: {  	[dreg:$0x4] =	wrdreg $0xC0  }
0xab: {  	_ =	task [dreg:s8], $0x5FFFF  }
0xac: {  	[dreg:$0x1] =	wrdreg $0xFFFFFFFF  }
0xad: {  	[dreg:$0x0] =	wrdreg $0x60  }
0xae: {  	[dreg:$0x2] =	wrdreg s24  }
0xaf: {  	s2 =	sadd.s32 $0x800, s2;
	[dreg:$0x3] =	wrdreg s3  }
0xb0: {  	[dreg:$0x4] =	wrdreg s2  }
0xb1: {  	[dreg:$0x5] =	wrdreg $0x9  }
0xb2: {  	_ =	task.clear_ibuf [dreg:s8], $0x6FFFF;
	_ =	strace $0x90000046  }
0xb3: {  	s29 =	simm.s32 $0x9;
	_ =	strace $0x80000048  }
0xb4: {  	_ =	swait.ge [sflag:s29], $0x1  }
0xb5: {  	[sflag:s29] =	ssyncadd.s32 $0xFFFFFFFF  }
0xb6: {  	_ =	strace $0x90000048  }
0xb7: {  	_ =	sfence  }
0xb8: {  	s30 =	sld [smem:$0x0];
	_ =	sdelay $0x2  }
0xb9: {  	s31 =	sshll.u32 s1, $0xD;
	s1 =	sshrl.u32 s1, $0x2  }
0xba: {  	s3 =	sand.u32 $0x4000, s31;
	s1 =	sadd.s32 s1, s30  }
0xbb: {  	s0 =	sor.u32 s3, s0;
	s1 =	sshll.u32 s1, $0x11  }
0xbc: {  	s0 =	sor.u32 s1, s0  }
0xbd: {  	s0 =	sadd.s32 $0x8F2B, s0  }
0xbe: {  	[sflag:s0] =	ssyncadd.remote.s32 $0x1  }
0xbf: {  	_ =	sfence.sel $0xFFFF  }
0xc0: {  	[dreg:$0x0] =	wrdreg $0xFFFFFFFF;
	(pc) =	sbr.abs _section_cstart, $3  }
0xc1: {  	[dreg:$0x1] =	wrdreg $0xFFFFFFFF  }
0xc2: {  	_ =	task.clear_ibuf [dreg:s8], $0x2FFFF;
	_ =	strace $0x9FFFFFFF  }
0xc3: {  	(tm) =	ssettm $0x7FFFFFFF  }
tec
execute0_lowered:
.L_overlay_start_1:
0x0: {  	(tag) =	ssettag $0x1  }
0x1: {  	s1 =	rddreg [dreg:$0x0]  }
0x2: {  	s0 =	srdreg.scid;
	s2 =	rddreg [dreg:$0x1]  }
0x3: {  	s12 =	stileid.u32;
	s7 =	rddreg [dreg:$0x2];
	s14 =	simm.s32 $0x12C00  }
0x4: {  	s15 =	simm.s32 $0x15E00;
	s16 =	simm.s32 $0x9;
	s18 =	simm.s32 $0x6400  }
0x5: {  	s19 =	simm.s32 $0xA;
	s20 =	simm.s32 $0x9600;
	s21 =	simm.s32 $0x5  }
0x6: {  	s22 =	simm.s32 $0x6;
	s30 =	simm.s32 $0x1;
	s31 =	simm.s32 $0x2  }
0x7: {  	s25 =	simm.s32 $0x4;
	s26 =	simm.s32 $0x1C200;
	s6 =	smul.u32 $0xC3500, s12  }
0x8: {  	s0 =	sand.u32 $0x1, s0;
	s3 =	sshll.u32 s12, $0x8;
	s9 =	smul.u32 $0xC350, s12  }
0x9: {  	s4 =	sshll.u32 s0, $0x7;
	s28 =	ssub.s32 $0x2, s0;
	s0 =	smul.u32 $0xC3500, s0  }
0xa: {  	s3 =	sor.u32 s4, s3;
	s4 =	simm.s32 $0x0;
	s10 =	sshrl.u32 s6, $0x4  }
0xb: {  	s11 =	sshrl.u32 s28, $0x1;
	s6 =	smul.u32 $0x186A, s12;
	s9 =	sadd.s32 s2, s9  }
0xc: {  	s5 =	smul.u32 $0x19, s3;
	[smem:$0x7FF] =	sst s4;
	s10 =	sadd.s32 s2, s10  }
0xd: {  	s17 =	sadd.s32 s0, s7;
	s0 =	simm.s32 $0x19000;
	s7 =	simm.s32 $0x0  }
0xe: {  	_ =	strace $0x80000047;
	[dreg:$0x4] =	wrdreg s9;
	s29 =	sadd.s32 $0x3E8, s10  }
0xf: {  	s9 =	sadd.s32 $0xFA, s6;
	s8 =	sadd.s32 s5, s1;
	s5 =	sadd.s32 $0x19400, s1  }
0x10: {  	s1 =	ssub.s32 s28, s11;
	[dreg:$0x5] =	wrdreg s29;
	s8 =	sadd.s32 $0x400, s8  }
0x11: {  	s10 =	sadd.s32 $0x177, s6;
	s1 =	smax.u32 s1, $0x1;
	[dreg:$0x6] =	wrdreg s8  }
0x12: {  	s11 =	sadd.s32 $0x7D, s6;
	[dreg:$0x7] =	wrdreg s1;
	s1 =	simm.s32 $0x3  }
.LBB2_1:
0x13: {  	s8 =	rddreg [dreg:$0x4]  }
0x14: {  	[tilespmem:s14], [sflag:$0x9] =	stream.linear.gather [hbm4b:s8+s4], $0x1F40, $0x38;
	[tilespmem:$0x1F400] =	vst v63  }
0x15: {  	s29 =	rddreg [dreg:$0x5];
	s8 =	simm.s32 $0x0  }
0x16: {  	[tilespmem:s15], [sflag:$0xA] =	stream.linear.gather [hbm4b:s29+s4], $0x1F40, $0x38;
	[tilespmem:$0x1F400] =	vst v63  }
.LBB2_2:
0x17: {  	_ =	swait.ge [sflag:s16], $0x1F40  }
0x18: {  	p1 =	seq.s32 s8, $0x0;
	[sflag:s16] =	ssyncset.done $0x0  }
0x19: {  	s12 =	simm.s32 @!p1 $0x5;
	[sflag:s16] =	ssyncadd.s32 $0xFFFFE0C0  }
0x1a: {  	_ =	swait.ge @!p1 [sflag:s12], $0x1F40  }
0x1b: {  	[sflag:s12] =	ssyncset.done @!p1 $0x0  }
0x1c: {  	s13 =	simm.s32 $0x0;
	[sflag:s12] =	ssyncadd.s32 @!p1 $0xFFFFE0C0  }
0x1d: {  	v1 =	vld [tilespmem:s13+$0x12C30]  }
0x1e: {  	v2 =	vld [tilespmem:s13+$0x12C00]  }
0x1f: {  	v0 =	vld [tilespmem:s13+$0x12C10]  }
0x20: {  	s12 =	simm.s32 $0x100;
	v3 =	vld [tilespmem:s13+$0x12C20]  }
.LBB2_3:
0x21: {  	p0 =	sne.s32 s12, $0x7C00  }
.Ltmp0:
0x22: {  	s23 =	sshra.s32 s12, $0x2;
	s12 =	sadd.s32 $0x100, s12;
	[tilespmem:s13+$0x6430] =	vst v1;
	(pc) =	sbr.rel @p0 .LBB2_3-.Ltmp0, $4  }
0x23: {  	v1 =	vld [tilespmem:s23+$0x12C30];
	[tilespmem:s13+$0x6400] =	vst v2  }
0x24: {  	v2 =	vld [tilespmem:s23+$0x12C00];
	[tilespmem:s13+$0x6410] =	vst v0  }
0x25: {  	v0 =	vld [tilespmem:s23+$0x12C10];
	[tilespmem:s13+$0x6420] =	vst v3;
	s13 =	smov.u32 s23  }
0x26: {  	v3 =	vld [tilespmem:s13+$0x12C20]  }
0x27: {  	p0 =	seq.s32 s8, $0x18  }
0x28: {  	s12 =	smul.u32 @!p0 $0xFA, s8  }
0x29: {  	[tilespmem:s13+$0x6430] =	vst v1  }
0x2a: {  	[tilespmem:s13+$0x6400] =	vst v2;
	s23 =	sadd.s32 @!p0 s12, s9  }
0x2b: {  	s28 =	simm.s32 @!p0 $0x12C00;
	[tilespmem:s13+$0x6410] =	vst v0;
	s12 =	simm.s32 @p0 $0x1770;
	s23 =	sshll.u32 @!p0 s23, $0x3  }
0x2c: {  	[tilespmem:s13+$0x6420] =	vst v3;
	s29 =	sadd.s32 s6, s12;
	s13 =	sadd.s32 @!p0 s2, s23;
	s23 =	simm.s32 @!p0 $0x0  }
0x2d: {  	[tilespmem:s28], [sflag:$0x9] =	stream.linear.gather @!p0 [hbm4b:s13+s23], $0x1F40, $0x38;
	[tilespmem:$0x1F400] =	vst v63  }
0x2e: {  	s13 =	sshll.u32 s29, $0x3  }
0x2f: {  	s13 =	sadd.s32 s13, s17  }
0x30: {  	[hbm4b:s13+s4] =	stream.linear.scatter [tilespmem:s18], [sflag:$0x5], $0x1F40, $0x38;
	[tilespmem:$0x1F400] =	vst v63  }
0x31: {  	_ =	swait.ge [sflag:s19], $0x1F40  }
0x32: {  	[sflag:s19] =	ssyncset.done $0x0  }
0x33: {  	s13 =	simm.s32 @!p1 $0x6;
	[sflag:s19] =	ssyncadd.s32 $0xFFFFE0C0  }
0x34: {  	_ =	swait.ge @!p1 [sflag:s13], $0x1F40  }
0x35: {  	[sflag:s13] =	ssyncset.done @!p1 $0x0  }
0x36: {  	[sflag:s13] =	ssyncadd.s32 @!p1 $0xFFFFE0C0;
	s13 =	simm.s32 $0x0  }
0x37: {  	v1 =	vld [tilespmem:s13+$0x15E30]  }
0x38: {  	v2 =	vld [tilespmem:s13+$0x15E00]  }
0x39: {  	v0 =	vld [tilespmem:s13+$0x15E10]  }
0x3a: {  	s23 =	simm.s32 $0x100;
	v3 =	vld [tilespmem:s13+$0x15E20]  }
.LBB2_5:
0x3b: {  	p1 =	sne.s32 s23, $0x7C00  }
.Ltmp1:
0x3c: {  	s28 =	sshra.s32 s23, $0x2;
	s23 =	sadd.s32 $0x100, s23;
	[tilespmem:s13+$0x9630] =	vst v1;
	(pc) =	sbr.rel @p1 .LBB2_5-.Ltmp1, $4  }
0x3d: {  	v1 =	vld [tilespmem:s28+$0x15E30];
	[tilespmem:s13+$0x9600] =	vst v2  }
0x3e: {  	v2 =	vld [tilespmem:s28+$0x15E00];
	[tilespmem:s13+$0x9610] =	vst v0  }
0x3f: {  	v0 =	vld [tilespmem:s28+$0x15E10];
	[tilespmem:s13+$0x9620] =	vst v3;
	s13 =	smov.u32 s28  }
0x40: {  	v3 =	vld [tilespmem:s13+$0x15E20]  }
0x41: {  	_ = 	snop  }
0x42: {  	[tilespmem:s13+$0x9630] =	vst v1  }
0x43: {  	s23 =	sadd.s32 @!p0 s12, s10;
	[tilespmem:s13+$0x9600] =	vst v2  }
0x44: {  	s28 =	simm.s32 @!p0 $0x15E00;
	s23 =	sshll.u32 @!p0 s23, $0x3;
	[tilespmem:s13+$0x9610] =	vst v0  }
0x45: {  	s8 =	sadd.s32 $0x1, s8;
	[tilespmem:s13+$0x9620] =	vst v3;
	s13 =	sadd.s32 @!p0 s2, s23;
	s23 =	simm.s32 @!p0 $0x0  }
0x46: {  	[tilespmem:s28], [sflag:$0xA] =	stream.linear.gather @!p0 [hbm4b:s13+s23], $0x1F40, $0x38;
	[tilespmem:$0x1F400] =	vst v63  }
0x47: {  	p0 =	sne.s32 s8, $0x19  }
.Ltmp2:
0x48: {  	_ = 	snop;
	(pc) =	sbr.rel @p0 .LBB2_2-.Ltmp2, $4  }
0x49: {  	s29 =	sadd.s32 s12, s11  }
0x4a: {  	s12 =	sshll.u32 s29, $0x3  }
0x4b: {  	s12 =	sadd.s32 s12, s17  }
0x4c: {  	[hbm4b:s12+s4] =	stream.linear.scatter [tilespmem:s20], [sflag:$0x6], $0x1F40, $0x38;
	[tilespmem:$0x1F400] =	vst v63  }
0x4d: {  	_ =	swait.ge [sflag:s21], $0x1F40  }
0x4e: {  	[sflag:s21] =	ssyncset.done $0x0  }
0x4f: {  	[sflag:s21] =	ssyncadd.s32 $0xFFFFE0C0  }
0x50: {  	_ =	swait.ge [sflag:s22], $0x1F40  }
0x51: {  	s8 =	simm.s32 $0x0;
	[sflag:s22] =	ssyncset.done $0x0  }
0x52: {  	s23 =	simm.s32 $0xB;
	s12 =	rddreg [dreg:$0x6];
	[sflag:s22] =	ssyncadd.s32 $0xFFFFE0C0  }
0x53: {  	[tilespmem:s8], [sflag:$0xB] =	stream.linear.gather [hbm4b:s12+s8], $0x6400, $0x38;
	[tilespmem:$0x1F400] =	vst v63  }
0x54: {  	_ =	swait.ge [sflag:s23], $0x6400  }
0x55: {  	[sflag:s23] =	ssyncset.done $0x0  }
0x56: {  	[sflag:s23] =	ssyncadd.s32 $0xFFFF9C00  }
0x57: {  	s24 =	simm.s32 $0xC8;
	[bflag:$0x0] =	sbarrier.arrive $0xFFFF  }
0x58: {  	[tilespmem:s18], [sflag:$0x1] =	stream.indirect.gather [hbm4b:s17+s24], $0x40, s8, s24, $0xb8;
	[tilespmem:$0x1F400] =	vst v63  }
0x59: {  	_ = 	snop  }
0x5a: {  	[tilespmem:s20], [sflag:$0x2] =	stream.indirect.gather [hbm4b:s17+s24], $0x40, s24, s24, $0xb8;
	[tilespmem:$0x1F400] =	vst v63  }
0x5b: {  	s13 =	simm.s32 $0x190;
	s23 =	simm.s32 $0xC800  }
0x5c: {  	[tilespmem:s23], [sflag:$0x3] =	stream.indirect.gather [hbm4b:s17+s24], $0x40, s13, s24, $0xb8;
	[tilespmem:$0x1F400] =	vst v63  }
0x5d: {  	s28 =	simm.s32 $0x258;
	s29 =	simm.s32 $0xFA00  }
0x5e: {  	[tilespmem:s29], [sflag:$0x4] =	stream.indirect.gather [hbm4b:s17+s24], $0x40, s28, s24, $0xb8;
	[tilespmem:$0x1F400] =	vst v63  }
.LBB2_8:
0x5f: {  	_ =	swait.ge [sflag:s30], $0x3200  }
0x60: {  	p1 =	seq.s32 s8, $0x0;
	[sflag:s30] =	ssyncset.done $0x0  }
0x61: {  	s12 =	simm.s32 @!p1 $0x5;
	[sflag:s30] =	ssyncadd.s32 $0xFFFFCE00  }
0x62: {  	_ =	swait.ge @!p1 [sflag:s12], $0x3200  }
0x63: {  	[sflag:s12] =	ssyncset.done @!p1 $0x0  }
0x64: {  	s23 =	simm.s32 $0x0;
	[sflag:s12] =	ssyncadd.s32 @!p1 $0xFFFFCE00  }
0x65: {  	v1 =	vld [tilespmem:s23+$0x6430]  }
0x66: {  	v2 =	vld [tilespmem:s23+$0x6400]  }
0x67: {  	v0 =	vld [tilespmem:s23+$0x6410]  }
0x68: {  	s13 =	simm.s32 $0x100;
	s12 =	sshll.u32 s8, $0x2;
	v3 =	vld [tilespmem:s23+$0x6420]  }
.LBB2_9:
0x69: {  	p0 =	sne.s32 s13, $0xC700  }
.Ltmp3:
0x6a: {  	s28 =	sshra.s32 s13, $0x2;
	s13 =	sadd.s32 $0x100, s13;
	[tilespmem:s23+$0x12C30] =	vst v1;
	(pc) =	sbr.rel @p0 .LBB2_9-.Ltmp3, $4  }
0x6b: {  	v1 =	vld [tilespmem:s28+$0x6430];
	[tilespmem:s23+$0x12C00] =	vst v2  }
0x6c: {  	v2 =	vld [tilespmem:s28+$0x6400];
	[tilespmem:s23+$0x12C10] =	vst v0  }
0x6d: {  	v0 =	vld [tilespmem:s28+$0x6410];
	[tilespmem:s23+$0x12C20] =	vst v3;
	s23 =	smov.u32 s28  }
0x6e: {  	v3 =	vld [tilespmem:s23+$0x6420]  }
0x6f: {  	p0 =	seq.s32 s8, $0x1F  }
0x70: {  	s13 =	smul.u32 @!p0 $0xC80, s8;
	[tilespmem:s23+$0x12C30] =	vst v1  }
0x71: {  	[tilespmem:s23+$0x12C00] =	vst v2  }
0x72: {  	s29 =	sadd.s32 s3, s12;
	s24 =	simm.s32 @!p0 $0x6400;
	s13 =	sshra.s32 @!p0 s13, $0x2;
	[tilespmem:s23+$0x12C10] =	vst v0  }
0x73: {  	s29 =	smul.u32 $0x640, s29;
	s28 =	sadd.s32 @!p0 $0x320, s13;
	[tilespmem:s23+$0x12C20] =	vst v3;
	s23 =	simm.s32 @!p0 $0xC8  }
0x74: {  	[tilespmem:s24], [sflag:$0x1] =	stream.indirect.gather @!p0 [hbm4b:s17+s23], $0x40, s28, s23, $0xb8;
	[tilespmem:$0x1F400] =	vst v63  }
0x75: {  	s24 =	sadd.s32 s5, s29  }
0x76: {  	[hbm4b:s24+s4] =	stream.linear.scatter [tilespmem:s14], [sflag:$0x5], $0x3200, $0x38;
	[tilespmem:$0x1F400] =	vst v63  }
0x77: {  	_ =	swait.ge [sflag:s31], $0x3200  }
0x78: {  	[sflag:s31] =	ssyncset.done $0x0  }
0x79: {  	s23 =	simm.s32 @!p1 $0x6;
	[sflag:s31] =	ssyncadd.s32 $0xFFFFCE00  }
0x7a: {  	_ =	swait.ge @!p1 [sflag:s23], $0x3200  }
0x7b: {  	[sflag:s23] =	ssyncset.done @!p1 $0x0  }
0x7c: {  	[sflag:s23] =	ssyncadd.s32 @!p1 $0xFFFFCE00;
	s23 =	simm.s32 $0x0  }
0x7d: {  	v0 =	vld [tilespmem:s23+$0x9630]  }
0x7e: {  	v1 =	vld [tilespmem:s23+$0x9600]  }
0x7f: {  	v2 =	vld [tilespmem:s23+$0x9610]  }
0x80: {  	s28 =	sor.u32 $0x1, s12;
	s29 =	simm.s32 $0x100;
	v3 =	vld [tilespmem:s23+$0x9620]  }
.LBB2_11:
0x81: {  	p2 =	sne.s32 s29, $0xC700  }
.Ltmp4:
0x82: {  	s24 =	sshra.s32 s29, $0x2;
	s29 =	sadd.s32 $0x100, s29;
	[tilespmem:s23+$0x15E30] =	vst v0;
	(pc) =	sbr.rel @p2 .LBB2_11-.Ltmp4, $4  }
0x83: {  	v0 =	vld [tilespmem:s24+$0x9630];
	[tilespmem:s23+$0x15E00] =	vst v1  }
0x84: {  	v1 =	vld [tilespmem:s24+$0x9600];
	[tilespmem:s23+$0x15E10] =	vst v2  }
0x85: {  	v2 =	vld [tilespmem:s24+$0x9610];
	[tilespmem:s23+$0x15E20] =	vst v3;
	s23 =	smov.u32 s24  }
0x86: {  	v3 =	vld [tilespmem:s23+$0x9620]  }
0x87: {  	_ = 	snop  }
0x88: {  	[tilespmem:s23+$0x15E30] =	vst v0  }
0x89: {  	[tilespmem:s23+$0x15E00] =	vst v1  }
0x8a: {  	s24 =	sadd.s32 @!p0 $0x3E8, s13;
	s28 =	sadd.s32 s3, s28;
	[tilespmem:s23+$0x15E10] =	vst v2  }
0x8b: {  	s29 =	simm.s32 @!p0 $0x9600;
	s28 =	smul.u32 $0x640, s28;
	[tilespmem:s23+$0x15E20] =	vst v3;
	s23 =	simm.s32 @!p0 $0xC8  }
0x8c: {  	[tilespmem:s29], [sflag:$0x2] =	stream.indirect.gather @!p0 [hbm4b:s17+s23], $0x40, s24, s23, $0xb8;
	[tilespmem:$0x1F400] =	vst v63  }
0x8d: {  	s24 =	sadd.s32 s5, s28  }
0x8e: {  	[hbm4b:s24+s4] =	stream.linear.scatter [tilespmem:s15], [sflag:$0x6], $0x3200, $0x38;
	[tilespmem:$0x1F400] =	vst v63  }
0x8f: {  	_ =	swait.ge [sflag:s1], $0x3200  }
0x90: {  	[sflag:s1] =	ssyncset.done $0x0  }
0x91: {  	s23 =	simm.s32 @!p1 $0x7;
	[sflag:s1] =	ssyncadd.s32 $0xFFFFCE00  }
0x92: {  	_ =	swait.ge @!p1 [sflag:s23], $0x3200  }
0x93: {  	[sflag:s23] =	ssyncset.done @!p1 $0x0  }
0x94: {  	[sflag:s23] =	ssyncadd.s32 @!p1 $0xFFFFCE00;
	s23 =	simm.s32 $0x0  }
0x95: {  	v0 =	vld [tilespmem:s23+$0xC830]  }
0x96: {  	v1 =	vld [tilespmem:s23+$0xC800]  }
0x97: {  	v2 =	vld [tilespmem:s23+$0xC810]  }
0x98: {  	s28 =	sor.u32 $0x2, s12;
	s29 =	simm.s32 $0x100;
	v3 =	vld [tilespmem:s23+$0xC820]  }
.LBB2_13:
0x99: {  	p2 =	sne.s32 s29, $0xC700  }
.Ltmp5:
0x9a: {  	s24 =	sshra.s32 s29, $0x2;
	s29 =	sadd.s32 $0x100, s29;
	[tilespmem:s23+$0x19030] =	vst v0;
	(pc) =	sbr.rel @p2 .LBB2_13-.Ltmp5, $4  }
0x9b: {  	v0 =	vld [tilespmem:s24+$0xC830];
	[tilespmem:s23+$0x19000] =	vst v1  }
0x9c: {  	v1 =	vld [tilespmem:s24+$0xC800];
	[tilespmem:s23+$0x19010] =	vst v2  }
0x9d: {  	v2 =	vld [tilespmem:s24+$0xC810];
	[tilespmem:s23+$0x19020] =	vst v3;
	s23 =	smov.u32 s24  }
0x9e: {  	v3 =	vld [tilespmem:s23+$0xC820]  }
0x9f: {  	_ = 	snop  }
0xa0: {  	[tilespmem:s23+$0x19030] =	vst v0  }
0xa1: {  	[tilespmem:s23+$0x19000] =	vst v1  }
0xa2: {  	s24 =	sadd.s32 @!p0 $0x4B0, s13;
	s28 =	sadd.s32 s3, s28;
	[tilespmem:s23+$0x19010] =	vst v2  }
0xa3: {  	s29 =	simm.s32 @!p0 $0xC800;
	s28 =	smul.u32 $0x640, s28;
	[tilespmem:s23+$0x19020] =	vst v3;
	s23 =	simm.s32 @!p0 $0xC8  }
0xa4: {  	[tilespmem:s29], [sflag:$0x3] =	stream.indirect.gather @!p0 [hbm4b:s17+s23], $0x40, s24, s23, $0xb8;
	[tilespmem:$0x1F400] =	vst v63  }
0xa5: {  	s29 =	sadd.s32 s5, s28  }
0xa6: {  	[hbm4b:s29+s4] =	stream.linear.scatter [tilespmem:s0], [sflag:$0x7], $0x3200, $0x38;
	[tilespmem:$0x1F400] =	vst v63  }
0xa7: {  	_ =	swait.ge [sflag:s25], $0x3200  }
0xa8: {  	[sflag:s25] =	ssyncset.done $0x0  }
0xa9: {  	s23 =	simm.s32 @!p1 $0x8;
	[sflag:s25] =	ssyncadd.s32 $0xFFFFCE00  }
0xaa: {  	_ =	swait.ge @!p1 [sflag:s23], $0x3200  }
0xab: {  	[sflag:s23] =	ssyncset.done @!p1 $0x0  }
0xac: {  	[sflag:s23] =	ssyncadd.s32 @!p1 $0xFFFFCE00;
	s23 =	simm.s32 $0x0  }
0xad: {  	v0 =	vld [tilespmem:s23+$0xFA30]  }
0xae: {  	v1 =	vld [tilespmem:s23+$0xFA00]  }
0xaf: {  	v2 =	vld [tilespmem:s23+$0xFA10]  }
0xb0: {  	s12 =	sor.u32 $0x3, s12;
	s28 =	simm.s32 $0x100;
	v3 =	vld [tilespmem:s23+$0xFA20]  }
.LBB2_15:
0xb1: {  	p1 =	sne.s32 s28, $0xC700  }
.Ltmp6:
0xb2: {  	s24 =	sshra.s32 s28, $0x2;
	s28 =	sadd.s32 $0x100, s28;
	[tilespmem:s23+$0x1C230] =	vst v0;
	(pc) =	sbr.rel @p1 .LBB2_15-.Ltmp6, $4  }
0xb3: {  	v0 =	vld [tilespmem:s24+$0xFA30];
	[tilespmem:s23+$0x1C200] =	vst v1  }
0xb4: {  	v1 =	vld [tilespmem:s24+$0xFA00];
	[tilespmem:s23+$0x1C210] =	vst v2  }
0xb5: {  	v2 =	vld [tilespmem:s24+$0xFA10];
	[tilespmem:s23+$0x1C220] =	vst v3;
	s23 =	smov.u32 s24  }
0xb6: {  	v3 =	vld [tilespmem:s23+$0xFA20]  }
0xb7: {  	_ = 	snop  }
0xb8: {  	[tilespmem:s23+$0x1C230] =	vst v0  }
0xb9: {  	[tilespmem:s23+$0x1C200] =	vst v1  }
0xba: {  	s13 =	sadd.s32 @!p0 $0x578, s13;
	[tilespmem:s23+$0x1C210] =	vst v2  }
0xbb: {  	s24 =	simm.s32 @!p0 $0xFA00;
	s8 =	sadd.s32 $0x1, s8;
	[tilespmem:s23+$0x1C220] =	vst v3;
	s23 =	simm.s32 @!p0 $0xC8  }
0xbc: {  	[tilespmem:s24], [sflag:$0x4] =	stream.indirect.gather @!p0 [hbm4b:s17+s23], $0x40, s13, s23, $0xb8;
	[tilespmem:$0x1F400] =	vst v63  }
0xbd: {  	p0 =	sne.s32 s8, $0x20  }
.Ltmp7:
0xbe: {  	s12 =	sadd.s32 s3, s12;
	(pc) =	sbr.rel @p0 .LBB2_8-.Ltmp7, $3  }
0xbf: {  	s12 =	smul.u32 $0x640, s12;
	_ =	sdelay $0x1  }
0xc0: {  	s12 =	sadd.s32 s5, s12  }
0xc1: {  	[hbm4b:s12+s4] =	stream.linear.scatter [tilespmem:s26], [sflag:$0x8], $0x3200, $0x38;
	[tilespmem:$0x1F400] =	vst v63  }
0xc2: {  	_ =	swait.ge [sflag:s21], $0x3200  }
0xc3: {  	[sflag:s21] =	ssyncset.done $0x0  }
0xc4: {  	[sflag:s21] =	ssyncadd.s32 $0xFFFFCE00  }
0xc5: {  	_ =	swait.ge [sflag:s22], $0x3200  }
0xc6: {  	[sflag:s22] =	ssyncset.done $0x0  }
0xc7: {  	s8 =	simm.s32 $0x7;
	[sflag:s22] =	ssyncadd.s32 $0xFFFFCE00  }
0xc8: {  	_ =	swait.ge [sflag:s8], $0x3200  }
0xc9: {  	[sflag:s8] =	ssyncset.done $0x0  }
0xca: {  	s12 =	simm.s32 $0x8;
	[sflag:s8] =	ssyncadd.s32 $0xFFFFCE00  }
0xcb: {  	_ =	swait.ge [sflag:s12], $0x3200  }
0xcc: {  	s7 =	sadd.s32 $0x1, s7;
	s29 =	rddreg [dreg:$0x7]  }
0xcd: {  	p0 =	sne.s32 s7, s29  }
.Ltmp8:
0xce: {  	_ = 	snop;
	(pc) =	sbr.rel @p0 .LBB2_1-.Ltmp8, $3  }
0xcf: {  	_ =	sdelay $0x1  }
0xd0: {  	[sflag:s12] =	ssyncset.done $0x0  }
0xd1: {  	[sflag:s12] =	ssyncadd.s32 $0xFFFFCE00  }
0xd2: {  	_ =	sfence.sel $0x180000  }
0xd3: {  	[bflag:$0x0] =	sbarrier.arrive $0xFFFF  }
0xd4: {  	_ =	strace $0x90000047  }
0xd5: {  	s0 =	stileid.u32;
	[bflag:$0x2] =	sbarrier.arrive $0xFFFF  }
0xd6: {  	p0 =	sne.s32 s0, $0x0;
	s0 =	rddreg [dreg:$0x3]  }
0xd7: {  	s0 =	sadd.s32 @!p0 $0x100000, s0  }
0xd8: {  	[sflag:s0] =	ssyncadd.tile.s32 @!p0 $0x1;
	_ =	shalt  }
.Lfunc_end2:
_tile_overlayer_lowered:
.L_overlay_start_2:
0xd9: {  	(tag) =	ssettag $0x2  }
0xda: {  	s0 =	rddreg [dreg:$0x0];
	s2 =	stileid.u32  }
0xdb: {  	s1 =	rddreg [dreg:$0x1];
	p0 =	sne.s32 s2, $0x0  }
0xdc: {  	s3 =	rddreg [dreg:$0x2];
	[bflag:$0x3] =	sbarrier.arrive $0xFFFF;
	s2 =	simm.s32 @!p0 $0x1C0B  }
0xdd: {  	[timem:s3], [sflag:s2] =	dma.local @!p0 [hbm:s0], s1  }
0xde: {  	s0 =	simm.s32 @!p0 $0xB  }
0xdf: {  	_ =	swait.ge @!p0 [sflag:s0], s1  }
0xe0: {  	s1 =	ssub.s32 @!p0 $0x0, s1;
	[sflag:s0] =	ssyncset.done @!p0 $0x0  }
0xe1: {  	[sflag:s0] =	ssyncadd.s32 @!p0 s1  }
0xe2: {  	[bflag:$0x3] =	sbarrier.arrive $0xFFFF  }
0xe3: {  	_ =	shalt  }

</sc_bundles>
